<compile_context>
chip_gen: v7x
topology: tpu7x:2x2x1
jax: 0.10.2.dev20260603
libtpu: 0.0.44.dev20260713+nightly
codegen_flags: <defaults>
</compile_context>

<pallas_src>
import dataclasses
import functools
import math

import jax
import jax.numpy as jnp
from jax import lax
from jax.experimental import pallas as pl
from jax.experimental.pallas import tpu as pltpu
from jax.experimental.pallas import tpu_sc as plsc

NC = 2
NS = 16
NW = NC * NS


def _sc_aggregate(ei, x):
    n, d = x.shape
    e = ei.shape[0] // 2
    epw = e // NW
    ch = 128
    nfull = epw // ch
    tail_e = epw - nfull * ch
    R = 2
    rps = (n // NS) // 8 * 8
    tail = n - NS * rps

    mesh = plsc.VectorSubcoreMesh(
        core_axis_name="c", subcore_axis_name="s", num_cores=NC,
        num_subcores=NS)

    cp = pltpu.CompilerParams()
    if "needs_layout_passes" in pltpu.CompilerParams.__dataclass_fields__:
        cp = dataclasses.replace(cp, needs_layout_passes=False)

    @functools.partial(
        pl.kernel,
        out_type=(
            jax.ShapeDtypeStruct((NC, n, d), jnp.float32),
            jax.ShapeDtypeStruct((NW, n), jnp.float32),
        ),
        mesh=mesh,
        scratch_types=[
            pltpu.VMEM((R, ch), jnp.int32),
            pltpu.VMEM((R, ch), jnp.int32),
            pltpu.VMEM((1, 16), jnp.int32),
            pltpu.VMEM((R, ch, d), jnp.float32),
            pltpu.VMEM((n,), jnp.float32),
            pltpu.VMEM_SHARED((n, d), jnp.float32),
        ] + [pltpu.SemaphoreType.DMA] * (2 * R),
        compiler_params=cp,
    )
    def sc_agg(ei_hbm, x_hbm, part_hbm, cnt_hbm,
               sring_v, dring_v, dtail_v, rows_v, cnt_v, acc_sh, *sems):
        c = lax.axis_index("c")
        s = lax.axis_index("s")
        wid = c * NS + s
        base = wid * epw

        zvec = jnp.zeros((16,), jnp.float32)

        @pl.loop(0, n // 16)
        def _(i):
            cnt_v[pl.ds(i * 16, 16)] = zvec

        @pl.loop(0, ch)
        def _(r):
            for k in range(d // 16):
                rows_v[0, r, pl.ds(k * 16, 16)] = zvec

        for m in range(rps // ch):
            pltpu.sync_copy(rows_v.at[0],
                            acc_sh.at[pl.ds(s * rps + m * ch, ch)])
        rem = rps - (rps // ch) * ch
        if rem:
            pltpu.sync_copy(rows_v.at[0].at[pl.ds(0, rem)],
                            acc_sh.at[pl.ds(s * rps + (rps // ch) * ch, rem)])

        @pl.when(s == 0)
        def _():
            pltpu.sync_copy(rows_v.at[0].at[pl.ds(0, tail)],
                            acc_sh.at[pl.ds(NS * rps, tail)])

        plsc.subcore_barrier()

        ones = jnp.ones((16,), jnp.float32)
        gsems = sems[:R]
        isems = sems[R:2 * R]

        def hist(b, width, ring):
            for k in range(width // 16):
                dk = ring[b, pl.ds(k * 16, 16)]
                plsc.addupdate_scatter(cnt_v, [dk], ones)

        def idx_copy(j, b):
            return (
                pltpu.make_async_copy(ei_hbm.at[pl.ds(base + j * ch, ch)],
                                      sring_v.at[b], isems[b]),
                pltpu.make_async_copy(ei_hbm.at[pl.ds(e + base + j * ch, ch)],
                                      dring_v.at[b], isems[b]),
            )

        def idx_start(j, b):
            for cp_ in idx_copy(j, b):
                cp_.start()

        def idx_wait(j, b):
            for cp_ in idx_copy(j, b):
                cp_.wait()

        def gather_copy(b):
            return pltpu.make_async_copy(
                x_hbm.at[sring_v.at[b]], rows_v.at[b], gsems[b])

        AH = R - 1

        def body(j, b, ahead=True, pref=True):
            gather_copy(b).wait()
            if ahead:
                b2 = (b + AH) % R
                idx_wait(j + AH, b2)
                gather_copy(b2).start()
            pltpu.sync_copy(rows_v.at[b], acc_sh.at[dring_v.at[b]], add=True)
            hist(b, ch, dring_v)
            if pref:
                idx_start(j + R, b)

        for j0 in range(R):
            idx_start(j0, j0)
        for j0 in range(AH):
            idx_wait(j0, j0)
            gather_copy(j0).start()

        ntrip = nfull // R
        npeel = nfull - R * (ntrip - 1)

        @pl.loop(0, ntrip - 1)
        def _(p):
            for b in range(R):
                body(R * p + b, b)

        for j in range(nfull - npeel, nfull):
            body(j, j % R, ahead=(j + AH < nfull), pref=(j + R < nfull))

        if tail_e:
            pltpu.sync_copy(ei_hbm.at[pl.ds(base + nfull * ch, tail_e)],
                            sring_v.at[0].at[pl.ds(0, tail_e)])
            pltpu.sync_copy(ei_hbm.at[pl.ds(e + base + nfull * ch, tail_e)],
                            dtail_v.at[0])
            pltpu.async_copy(
                x_hbm.at[sring_v.at[0].at[pl.ds(0, tail_e)]],
                rows_v.at[0].at[pl.ds(0, tail_e)], gsems[0]).wait()
            pltpu.sync_copy(rows_v.at[0].at[pl.ds(0, tail_e)],
                            acc_sh.at[dtail_v.at[0]], add=True)
            hist(0, tail_e, dtail_v)

        plsc.subcore_barrier()
        pltpu.sync_copy(acc_sh.at[pl.ds(s * rps, rps)],
                        part_hbm.at[c].at[pl.ds(s * rps, rps)])

        @pl.when(s == 0)
        def _():
            pltpu.sync_copy(acc_sh.at[pl.ds(NS * rps, tail)],
                            part_hbm.at[c].at[pl.ds(NS * rps, tail)])

        pltpu.sync_copy(cnt_v, cnt_hbm.at[wid])

    return sc_agg(ei, x)


def _tc_combine(part_ref, cntp_ref, x_ref, wl_ref, bl_ref, wr_ref, g_ref,
                b_ref, o_ref):
    agg = part_ref[0] + part_ref[1]
    cnt = jnp.sum(cntp_ref[...], axis=0)
    mean = agg / jnp.maximum(cnt, 1.0)[:, None]
    h = (jnp.dot(mean, wl_ref[...], preferred_element_type=jnp.float32)
         + jnp.dot(x_ref[...], wr_ref[...], preferred_element_type=jnp.float32)
         + bl_ref[...])
    mu = jnp.mean(h, axis=1, keepdims=True)
    hc = h - mu
    var = jnp.mean(hc * hc, axis=1, keepdims=True)
    hn = hc * lax.rsqrt(var + 1e-5) * g_ref[...] + b_ref[...]
    o_ref[...] = 0.5 * hn * (1.0 + lax.erf(hn * (1.0 / math.sqrt(2.0))))


def kernel(x, edge_index, W_l, b_l, W_r, ln_gamma, ln_beta):
    n, d = x.shape
    part, cntp = _sc_aggregate(edge_index.reshape(-1), x)

    out = pl.pallas_call(
        _tc_combine,
        out_shape=jax.ShapeDtypeStruct((n, d), jnp.float32),
    )(part, cntp, x, W_l, b_l.reshape(1, d), W_r, ln_gamma.reshape(1, d),
      ln_beta.reshape(1, d))
    return out

# --- scband reference (transcript-rebuilt; emitter-appended) ---
"""Pipeline reference for scband-homogeneous-graph-convolution-74028056314526 (READ-ONLY COPY).

The authoritative reference and input builder live on the scoring server;
editing this copy changes nothing except your own understanding.
"""

import jax, jax.numpy as jnp
import numpy as np

N_NODES = 10000
N_EDGES = 320000
D_IN = 128
D_OUT = 128


def setup_inputs(seed: int = 0) -> dict:
    key = jax.random.key(seed)
    k1, k2, k3, k4, k5, k6 = jax.random.split(key, 6)
    x = jax.random.normal(k1, (N_NODES, D_IN), dtype=jnp.float32)
    # int32 used so the module runs cleanly under default (x64-disabled) jax config
    edge_index = jax.random.randint(k2, (2, N_EDGES), 0, N_NODES, dtype=jnp.int32)
    s = 1.0 / np.sqrt(D_IN)
    W_l = jax.random.uniform(k3, (D_IN, D_OUT), dtype=jnp.float32, minval=-s, maxval=s)
    b_l = jnp.zeros((D_OUT,), dtype=jnp.float32)
    W_r = jax.random.uniform(k4, (D_IN, D_OUT), dtype=jnp.float32, minval=-s, maxval=s)
    ln_gamma = jnp.ones((D_OUT,), dtype=jnp.float32)
    ln_beta = jnp.zeros((D_OUT,), dtype=jnp.float32)
    return {"x": x, "edge_index": edge_index, "W_l": W_l, "b_l": b_l,
            "W_r": W_r, "ln_gamma": ln_gamma, "ln_beta": ln_beta}


def reference(x, edge_index, W_l, b_l, W_r, ln_gamma, ln_beta):
    # GraphSAGE (num_layers=1) == single SAGEConv with mean aggregation:
    #   out = lin_l(mean_{j in N(i)} x_j) + lin_r(x_i)
    # (with num_layers=1, the inter-layer 'gelu' act is never applied inside GraphSAGE)
    src = edge_index[0]
    dst = edge_index[1]
    n = x.shape[0]
    msgs = jnp.take(x, src, axis=0)                       # gather (SparseCore)
    agg = jax.ops.segment_sum(msgs, dst, num_segments=n)  # scatter-add
    cnt = jax.ops.segment_sum(jnp.ones((edge_index.shape[1],), dtype=x.dtype),
                              dst, num_segments=n)
    agg = agg / jnp.maximum(cnt, 1.0)[:, None]            # mean aggregation
    h = agg @ W_l + b_l + x @ W_r
    # LayerNorm(out_channels), eps=1e-5
    mu = jnp.mean(h, axis=-1, keepdims=True)
    var = jnp.mean((h - mu) ** 2, axis=-1, keepdims=True)
    hn = (h - mu) / jnp.sqrt(var + 1e-5) * ln_gamma + ln_beta
    # torch nn.GELU() default is exact erf variant
    return jax.nn.gelu(hn, approximate=False)

if __name__ == "__main__":
    import jax
    _d = setup_inputs()
    print(jax.jit(kernel)(*tuple(_d.values())))

</pallas_src>

<mosaic_0001>
#map = affine_map<(d0, d1) -> (0)>
#map1 = affine_map<(d0, d1) -> (0, 0)>
#map2 = affine_map<(d0, d1) -> (0, 0, 0)>
module attributes {stable_mosaic.version = 14 : i64} {
  func.func @sc_agg(%arg0: i32, %arg1: i32, %arg2: memref<640000xi32, #tpu.memory_space<hbm>>, %arg3: memref<10000x128xf32, #tpu.memory_space<hbm>>, %arg4: memref<2x10000x128xf32, #tpu.memory_space<hbm>>, %arg5: memref<32x10000xf32, #tpu.memory_space<hbm>>, %arg6: memref<2x128xi32, #tpu.memory_space<vmem>>, %arg7: memref<2x128xi32, #tpu.memory_space<vmem>>, %arg8: memref<1x16xi32, #tpu.memory_space<vmem>>, %arg9: memref<2x128x128xf32, #tpu.memory_space<vmem>>, %arg10: memref<10000xf32, #tpu.memory_space<vmem>>, %arg11: memref<10000x128xf32, #tpu.memory_space<vmem_shared>>, %arg12: memref<!tpu.dma_semaphore, #tpu.memory_space<semaphore_mem>>, %arg13: memref<!tpu.dma_semaphore, #tpu.memory_space<semaphore_mem>>, %arg14: memref<!tpu.dma_semaphore, #tpu.memory_space<semaphore_mem>>, %arg15: memref<!tpu.dma_semaphore, #tpu.memory_space<semaphore_mem>>) attributes {dimension_semantics = [#tpu.dimension_semantics<core_parallel>, #tpu.dimension_semantics<subcore_parallel>], iteration_bounds = array<i64: 2, 16>, scalar_prefetch = 0 : i64, scratch_operands = 10 : i64, tpu.core_type = #tpu.core_type<sc_vector_subcore>, window_params = [{transform_indices = #map}, {transform_indices = #map1}, {transform_indices = #map2}, {transform_indices = #map1}]} {
    %mul3A = arith.constant 16 : i32
    %mul3A_0 = arith.muli %arg0, %mul3A : i32
    %add3A = arith.addi %mul3A_0, %arg1 : i32
    %mul3A_1 = arith.constant 10000 : i32
    %mul3A_2 = arith.muli %add3A, %mul3A_1 : i32
    %broadcast_in_dim3A = arith.constant 0.000000e+00 : f32
    %broadcast_in_dim3A_3 = vector.broadcast %broadcast_in_dim3A : f32 to vector<16xf32>
    %scan3A = arith.constant 0 : i32
    %scan3A_4 = arith.constant 625 : i32
    %scan3A_5 = arith.addi %scan3A, %scan3A_4 : i32
    %scan3A_6 = arith.constant 1 : i32
    scf.for %scan3A_313 = %scan3A to %scan3A_5 step %scan3A_6  : i32 {
      %mul3A_314 = arith.constant 1 : i32
      %mul3A_315 = arith.muli %scan3A_313, %mul3A_314 : i32
      %add3A_316 = arith.constant 0 : i32
      %add3A_317 = arith.addi %add3A_316, %mul3A_315 : i32
      %mul3A_318 = arith.constant 16 : i32
      %mul3A_319 = arith.muli %add3A_317, %mul3A_318 : i32
      %swap3A = arith.index_cast %mul3A_319 : i32 to index
      %swap3A_320 = tpu.vector_load %arg10[%swap3A] {strides = array<i32>} : memref<10000xf32, #tpu.memory_space<vmem>>, vector<16xf32>,
      tpu.vector_store %arg10[%swap3A], %broadcast_in_dim3A_3 {strides = array<i32>} : memref<10000xf32, #tpu.memory_space<vmem>>, vector<16xf32>,
    }
    %scan3A_7 = arith.constant 625 : i32
    %scan3A_8 = arith.constant 0 : i32
    %scan3A_9 = arith.constant 128 : i32
    %scan3A_10 = arith.addi %scan3A_8, %scan3A_9 : i32
    %scan3A_11 = arith.constant 1 : i32
    scf.for %scan3A_313 = %scan3A_8 to %scan3A_10 step %scan3A_11  : i32 {
      %mul3A_314 = arith.constant 1 : i32
      %mul3A_315 = arith.muli %scan3A_313, %mul3A_314 : i32
      %add3A_316 = arith.constant 0 : i32
      %add3A_317 = arith.addi %add3A_316, %mul3A_315 : i32
      %swap3A = arith.constant 0 : i32
      %swap3A_318 = arith.index_cast %swap3A : i32 to index
      %swap3A_319 = arith.index_cast %add3A_317 : i32 to index
      %swap3A_320 = arith.constant 0 : index
      %swap3A_321 = tpu.vector_load %arg9[%swap3A_318, %swap3A_319, %swap3A_320] {strides = array<i32>} : memref<2x128x128xf32, #tpu.memory_space<vmem>>, vector<16xf32>,
      tpu.vector_store %arg9[%swap3A_318, %swap3A_319, %swap3A_320], %broadcast_in_dim3A_3 {strides = array<i32>} : memref<2x128x128xf32, #tpu.memory_space<vmem>>, vector<16xf32>,
      %swap3A_322 = arith.constant 0 : i32
      %swap3A_323 = arith.index_cast %swap3A_322 : i32 to index
      %swap3A_324 = arith.index_cast %add3A_317 : i32 to index
      %swap3A_325 = arith.constant 16 : index
      %swap3A_326 = tpu.vector_load %arg9[%swap3A_323, %swap3A_324, %swap3A_325] {strides = array<i32>} : memref<2x128x128xf32, #tpu.memory_space<vmem>>, vector<16xf32>,
      tpu.vector_store %arg9[%swap3A_323, %swap3A_324, %swap3A_325], %broadcast_in_dim3A_3 {strides = array<i32>} : memref<2x128x128xf32, #tpu.memory_space<vmem>>, vector<16xf32>,
      %swap3A_327 = arith.constant 0 : i32
      %swap3A_328 = arith.index_cast %swap3A_327 : i32 to index
      %swap3A_329 = arith.index_cast %add3A_317 : i32 to index
      %swap3A_330 = arith.constant 32 : index
      %swap3A_331 = tpu.vector_load %arg9[%swap3A_328, %swap3A_329, %swap3A_330] {strides = array<i32>} : memref<2x128x128xf32, #tpu.memory_space<vmem>>, vector<16xf32>,
      tpu.vector_store %arg9[%swap3A_328, %swap3A_329, %swap3A_330], %broadcast_in_dim3A_3 {strides = array<i32>} : memref<2x128x128xf32, #tpu.memory_space<vmem>>, vector<16xf32>,
      %swap3A_332 = arith.constant 0 : i32
      %swap3A_333 = arith.index_cast %swap3A_332 : i32 to index
      %swap3A_334 = arith.index_cast %add3A_317 : i32 to index
      %swap3A_335 = arith.constant 48 : index
      %swap3A_336 = tpu.vector_load %arg9[%swap3A_333, %swap3A_334, %swap3A_335] {strides = array<i32>} : memref<2x128x128xf32, #tpu.memory_space<vmem>>, vector<16xf32>,
      tpu.vector_store %arg9[%swap3A_333, %swap3A_334, %swap3A_335], %broadcast_in_dim3A_3 {strides = array<i32>} : memref<2x128x128xf32, #tpu.memory_space<vmem>>, vector<16xf32>,
      %swap3A_337 = arith.constant 0 : i32
      %swap3A_338 = arith.index_cast %swap3A_337 : i32 to index
      %swap3A_339 = arith.index_cast %add3A_317 : i32 to index
      %swap3A_340 = arith.constant 64 : index
      %swap3A_341 = tpu.vector_load %arg9[%swap3A_338, %swap3A_339, %swap3A_340] {strides = array<i32>} : memref<2x128x128xf32, #tpu.memory_space<vmem>>, vector<16xf32>,
      tpu.vector_store %arg9[%swap3A_338, %swap3A_339, %swap3A_340], %broadcast_in_dim3A_3 {strides = array<i32>} : memref<2x128x128xf32, #tpu.memory_space<vmem>>, vector<16xf32>,
      %swap3A_342 = arith.constant 0 : i32
      %swap3A_343 = arith.index_cast %swap3A_342 : i32 to index
      %swap3A_344 = arith.index_cast %add3A_317 : i32 to index
      %swap3A_345 = arith.constant 80 : index
      %swap3A_346 = tpu.vector_load %arg9[%swap3A_343, %swap3A_344, %swap3A_345] {strides = array<i32>} : memref<2x128x128xf32, #tpu.memory_space<vmem>>, vector<16xf32>,
      tpu.vector_store %arg9[%swap3A_343, %swap3A_344, %swap3A_345], %broadcast_in_dim3A_3 {strides = array<i32>} : memref<2x128x128xf32, #tpu.memory_space<vmem>>, vector<16xf32>,
      %swap3A_347 = arith.constant 0 : i32
      %swap3A_348 = arith.index_cast %swap3A_347 : i32 to index
      %swap3A_349 = arith.index_cast %add3A_317 : i32 to index
      %swap3A_350 = arith.constant 96 : index
      %swap3A_351 = tpu.vector_load %arg9[%swap3A_348, %swap3A_349, %swap3A_350] {strides = array<i32>} : memref<2x128x128xf32, #tpu.memory_space<vmem>>, vector<16xf32>,
      tpu.vector_store %arg9[%swap3A_348, %swap3A_349, %swap3A_350], %broadcast_in_dim3A_3 {strides = array<i32>} : memref<2x128x128xf32, #tpu.memory_space<vmem>>, vector<16xf32>,
      %swap3A_352 = arith.constant 0 : i32
      %swap3A_353 = arith.index_cast %swap3A_352 : i32 to index
      %swap3A_354 = arith.index_cast %add3A_317 : i32 to index
      %swap3A_355 = arith.constant 112 : index
      %swap3A_356 = tpu.vector_load %arg9[%swap3A_353, %swap3A_354, %swap3A_355] {strides = array<i32>} : memref<2x128x128xf32, #tpu.memory_space<vmem>>, vector<16xf32>,
      tpu.vector_store %arg9[%swap3A_353, %swap3A_354, %swap3A_355], %broadcast_in_dim3A_3 {strides = array<i32>} : memref<2x128x128xf32, #tpu.memory_space<vmem>>, vector<16xf32>,
    }
    %scan3A_12 = arith.constant 128 : i32
    %mul3A_13 = arith.constant 624 : i32
    %mul3A_14 = arith.muli %arg1, %mul3A_13 : i32
    %add3A_15 = arith.constant 0 : i32
    %add3A_16 = arith.addi %mul3A_14, %add3A_15 : i32
    %run_scoped3A = arith.constant 0 : i32
    "tpu.region"() ({
      %run_scoped3A_313 = tpu.sem_alloc : memref<!tpu.dma_semaphore, #tpu.memory_space<semaphore_mem>>
      %dma_start3A_314 = arith.constant 0 : i32
      %dma_start3A_315 = arith.constant 0 : i32
      %dma_start3A_316 = tpu.memref_slice %arg9[%run_scoped3A, %dma_start3A_314, %dma_start3A_315] : memref<2x128x128xf32, #tpu.memory_space<vmem>> -> memref<1x128x128xf32, #tpu.memory_space<vmem>>
      %dma_start3A_317 = tpu.memref_squeeze %dma_start3A_316 : memref<1x128x128xf32, #tpu.memory_space<vmem>> -> memref<128x128xf32, #tpu.memory_space<vmem>>
      %dma_start3A_318 = arith.constant 0 : i32
      %dma_start3A_319 = tpu.memref_slice %arg11[%add3A_16, %dma_start3A_318] : memref<10000x128xf32, #tpu.memory_space<vmem_shared>> -> memref<128x128xf32, #tpu.memory_space<vmem_shared>>
      %dma_start3A_320 = arith.constant 0 : i32
      %dma_start3A_321 = tpu.memref_slice %arg11[%add3A_16, %dma_start3A_320] : memref<10000x128xf32, #tpu.memory_space<vmem_shared>> -> memref<128x128xf32, #tpu.memory_space<vmem_shared>>
      %dma_start3A_322 = arith.constant 0 : i32
      %dma_start3A_323 = arith.constant 0 : i32
      %dma_start3A_324 = tpu.memref_slice %arg9[%run_scoped3A, %dma_start3A_322, %dma_start3A_323] : memref<2x128x128xf32, #tpu.memory_space<vmem>> -> memref<1x128x128xf32, #tpu.memory_space<vmem>>
      %dma_start3A_325 = tpu.memref_squeeze %dma_start3A_324 : memref<1x128x128xf32, #tpu.memory_space<vmem>> -> memref<128x128xf32, #tpu.memory_space<vmem>>
      tpu.enqueue_dma source(%dma_start3A_325 : memref<128x128xf32, #tpu.memory_space<vmem>>) target(%dma_start3A_321 : memref<128x128xf32, #tpu.memory_space<vmem_shared>>) target_semaphore(%run_scoped3A_313 : memref<!tpu.dma_semaphore, #tpu.memory_space<semaphore_mem>>)
      %dma_wait3A_326 = arith.constant 0 : i32
      %dma_wait3A_327 = arith.constant 0 : i32
      %dma_wait3A_328 = tpu.memref_slice %arg9[%run_scoped3A, %dma_wait3A_326, %dma_wait3A_327] : memref<2x128x128xf32, #tpu.memory_space<vmem>> -> memref<1x128x128xf32, #tpu.memory_space<vmem>>
      %dma_wait3A_329 = tpu.memref_squeeze %dma_wait3A_328 : memref<1x128x128xf32, #tpu.memory_space<vmem>> -> memref<128x128xf32, #tpu.memory_space<vmem>>
      %dma_wait3A_330 = arith.constant 0 : i32
      %dma_wait3A_331 = tpu.memref_slice %arg11[%add3A_16, %dma_wait3A_330] : memref<10000x128xf32, #tpu.memory_space<vmem_shared>> -> memref<128x128xf32, #tpu.memory_space<vmem_shared>>
      %dma_wait3A_332 = arith.constant 0 : i32
      %dma_wait3A_333 = tpu.memref_slice %arg11[%add3A_16, %dma_wait3A_332] : memref<10000x128xf32, #tpu.memory_space<vmem_shared>> -> memref<128x128xf32, #tpu.memory_space<vmem_shared>>
      %dma_wait3A_334 = arith.constant 0 : i32
      %dma_wait3A_335 = arith.constant 0 : i32
      %dma_wait3A_336 = tpu.memref_slice %arg9[%run_scoped3A, %dma_wait3A_334, %dma_wait3A_335] : memref<2x128x128xf32, #tpu.memory_space<vmem>> -> memref<1x128x128xf32, #tpu.memory_space<vmem>>
      %dma_wait3A_337 = tpu.memref_squeeze %dma_wait3A_336 : memref<1x128x128xf32, #tpu.memory_space<vmem>> -> memref<128x128xf32, #tpu.memory_space<vmem>>
      tpu.wait_dma2 semaphore(%run_scoped3A_313 : memref<!tpu.dma_semaphore, #tpu.memory_space<semaphore_mem>>) src(%dma_wait3A_337 : memref<128x128xf32, #tpu.memory_space<vmem>>) dst(%dma_wait3A_333 : memref<128x128xf32, #tpu.memory_space<vmem_shared>>)
      tpu.yield
    }) : () -> ()
    %mul3A_17 = arith.constant 624 : i32
    %mul3A_18 = arith.muli %arg1, %mul3A_17 : i32
    %add3A_19 = arith.constant 128 : i32
    %add3A_20 = arith.addi %mul3A_18, %add3A_19 : i32
    %run_scoped3A_21 = arith.constant 0 : i32
    "tpu.region"() ({
      %run_scoped3A_313 = tpu.sem_alloc : memref<!tpu.dma_semaphore, #tpu.memory_space<semaphore_mem>>
      %dma_start3A_314 = arith.constant 0 : i32
      %dma_start3A_315 = arith.constant 0 : i32
      %dma_start3A_316 = tpu.memref_slice %arg9[%run_scoped3A_21, %dma_start3A_314, %dma_start3A_315] : memref<2x128x128xf32, #tpu.memory_space<vmem>> -> memref<1x128x128xf32, #tpu.memory_space<vmem>>
      %dma_start3A_317 = tpu.memref_squeeze %dma_start3A_316 : memref<1x128x128xf32, #tpu.memory_space<vmem>> -> memref<128x128xf32, #tpu.memory_space<vmem>>
      %dma_start3A_318 = arith.constant 0 : i32
      %dma_start3A_319 = tpu.memref_slice %arg11[%add3A_20, %dma_start3A_318] : memref<10000x128xf32, #tpu.memory_space<vmem_shared>> -> memref<128x128xf32, #tpu.memory_space<vmem_shared>>
      %dma_start3A_320 = arith.constant 0 : i32
      %dma_start3A_321 = tpu.memref_slice %arg11[%add3A_20, %dma_start3A_320] : memref<10000x128xf32, #tpu.memory_space<vmem_shared>> -> memref<128x128xf32, #tpu.memory_space<vmem_shared>>
      %dma_start3A_322 = arith.constant 0 : i32
      %dma_start3A_323 = arith.constant 0 : i32
      %dma_start3A_324 = tpu.memref_slice %arg9[%run_scoped3A_21, %dma_start3A_322, %dma_start3A_323] : memref<2x128x128xf32, #tpu.memory_space<vmem>> -> memref<1x128x128xf32, #tpu.memory_space<vmem>>
      %dma_start3A_325 = tpu.memref_squeeze %dma_start3A_324 : memref<1x128x128xf32, #tpu.memory_space<vmem>> -> memref<128x128xf32, #tpu.memory_space<vmem>>
      tpu.enqueue_dma source(%dma_start3A_325 : memref<128x128xf32, #tpu.memory_space<vmem>>) target(%dma_start3A_321 : memref<128x128xf32, #tpu.memory_space<vmem_shared>>) target_semaphore(%run_scoped3A_313 : memref<!tpu.dma_semaphore, #tpu.memory_space<semaphore_mem>>)
      %dma_wait3A_326 = arith.constant 0 : i32
      %dma_wait3A_327 = arith.constant 0 : i32
      %dma_wait3A_328 = tpu.memref_slice %arg9[%run_scoped3A_21, %dma_wait3A_326, %dma_wait3A_327] : memref<2x128x128xf32, #tpu.memory_space<vmem>> -> memref<1x128x128xf32, #tpu.memory_space<vmem>>
      %dma_wait3A_329 = tpu.memref_squeeze %dma_wait3A_328 : memref<1x128x128xf32, #tpu.memory_space<vmem>> -> memref<128x128xf32, #tpu.memory_space<vmem>>
      %dma_wait3A_330 = arith.constant 0 : i32
      %dma_wait3A_331 = tpu.memref_slice %arg11[%add3A_20, %dma_wait3A_330] : memref<10000x128xf32, #tpu.memory_space<vmem_shared>> -> memref<128x128xf32, #tpu.memory_space<vmem_shared>>
      %dma_wait3A_332 = arith.constant 0 : i32
      %dma_wait3A_333 = tpu.memref_slice %arg11[%add3A_20, %dma_wait3A_332] : memref<10000x128xf32, #tpu.memory_space<vmem_shared>> -> memref<128x128xf32, #tpu.memory_space<vmem_shared>>
      %dma_wait3A_334 = arith.constant 0 : i32
      %dma_wait3A_335 = arith.constant 0 : i32
      %dma_wait3A_336 = tpu.memref_slice %arg9[%run_scoped3A_21, %dma_wait3A_334, %dma_wait3A_335] : memref<2x128x128xf32, #tpu.memory_space<vmem>> -> memref<1x128x128xf32, #tpu.memory_space<vmem>>
      %dma_wait3A_337 = tpu.memref_squeeze %dma_wait3A_336 : memref<1x128x128xf32, #tpu.memory_space<vmem>> -> memref<128x128xf32, #tpu.memory_space<vmem>>
      tpu.wait_dma2 semaphore(%run_scoped3A_313 : memref<!tpu.dma_semaphore, #tpu.memory_space<semaphore_mem>>) src(%dma_wait3A_337 : memref<128x128xf32, #tpu.memory_space<vmem>>) dst(%dma_wait3A_333 : memref<128x128xf32, #tpu.memory_space<vmem_shared>>)
      tpu.yield
    }) : () -> ()
    %mul3A_22 = arith.constant 624 : i32
    %mul3A_23 = arith.muli %arg1, %mul3A_22 : i32
    %add3A_24 = arith.constant 256 : i32
    %add3A_25 = arith.addi %mul3A_23, %add3A_24 : i32
    %run_scoped3A_26 = arith.constant 0 : i32
    "tpu.region"() ({
      %run_scoped3A_313 = tpu.sem_alloc : memref<!tpu.dma_semaphore, #tpu.memory_space<semaphore_mem>>
      %dma_start3A_314 = arith.constant 0 : i32
      %dma_start3A_315 = arith.constant 0 : i32
      %dma_start3A_316 = tpu.memref_slice %arg9[%run_scoped3A_26, %dma_start3A_314, %dma_start3A_315] : memref<2x128x128xf32, #tpu.memory_space<vmem>> -> memref<1x128x128xf32, #tpu.memory_space<vmem>>
      %dma_start3A_317 = tpu.memref_squeeze %dma_start3A_316 : memref<1x128x128xf32, #tpu.memory_space<vmem>> -> memref<128x128xf32, #tpu.memory_space<vmem>>
      %dma_start3A_318 = arith.constant 0 : i32
      %dma_start3A_319 = tpu.memref_slice %arg11[%add3A_25, %dma_start3A_318] : memref<10000x128xf32, #tpu.memory_space<vmem_shared>> -> memref<128x128xf32, #tpu.memory_space<vmem_shared>>
      %dma_start3A_320 = arith.constant 0 : i32
      %dma_start3A_321 = tpu.memref_slice %arg11[%add3A_25, %dma_start3A_320] : memref<10000x128xf32, #tpu.memory_space<vmem_shared>> -> memref<128x128xf32, #tpu.memory_space<vmem_shared>>
      %dma_start3A_322 = arith.constant 0 : i32
      %dma_start3A_323 = arith.constant 0 : i32
      %dma_start3A_324 = tpu.memref_slice %arg9[%run_scoped3A_26, %dma_start3A_322, %dma_start3A_323] : memref<2x128x128xf32, #tpu.memory_space<vmem>> -> memref<1x128x128xf32, #tpu.memory_space<vmem>>
      %dma_start3A_325 = tpu.memref_squeeze %dma_start3A_324 : memref<1x128x128xf32, #tpu.memory_space<vmem>> -> memref<128x128xf32, #tpu.memory_space<vmem>>
      tpu.enqueue_dma source(%dma_start3A_325 : memref<128x128xf32, #tpu.memory_space<vmem>>) target(%dma_start3A_321 : memref<128x128xf32, #tpu.memory_space<vmem_shared>>) target_semaphore(%run_scoped3A_313 : memref<!tpu.dma_semaphore, #tpu.memory_space<semaphore_mem>>)
      %dma_wait3A_326 = arith.constant 0 : i32
      %dma_wait3A_327 = arith.constant 0 : i32
      %dma_wait3A_328 = tpu.memref_slice %arg9[%run_scoped3A_26, %dma_wait3A_326, %dma_wait3A_327] : memref<2x128x128xf32, #tpu.memory_space<vmem>> -> memref<1x128x128xf32, #tpu.memory_space<vmem>>
      %dma_wait3A_329 = tpu.memref_squeeze %dma_wait3A_328 : memref<1x128x128xf32, #tpu.memory_space<vmem>> -> memref<128x128xf32, #tpu.memory_space<vmem>>
      %dma_wait3A_330 = arith.constant 0 : i32
      %dma_wait3A_331 = tpu.memref_slice %arg11[%add3A_25, %dma_wait3A_330] : memref<10000x128xf32, #tpu.memory_space<vmem_shared>> -> memref<128x128xf32, #tpu.memory_space<vmem_shared>>
      %dma_wait3A_332 = arith.constant 0 : i32
      %dma_wait3A_333 = tpu.memref_slice %arg11[%add3A_25, %dma_wait3A_332] : memref<10000x128xf32, #tpu.memory_space<vmem_shared>> -> memref<128x128xf32, #tpu.memory_space<vmem_shared>>
      %dma_wait3A_334 = arith.constant 0 : i32
      %dma_wait3A_335 = arith.constant 0 : i32
      %dma_wait3A_336 = tpu.memref_slice %arg9[%run_scoped3A_26, %dma_wait3A_334, %dma_wait3A_335] : memref<2x128x128xf32, #tpu.memory_space<vmem>> -> memref<1x128x128xf32, #tpu.memory_space<vmem>>
      %dma_wait3A_337 = tpu.memref_squeeze %dma_wait3A_336 : memref<1x128x128xf32, #tpu.memory_space<vmem>> -> memref<128x128xf32, #tpu.memory_space<vmem>>
      tpu.wait_dma2 semaphore(%run_scoped3A_313 : memref<!tpu.dma_semaphore, #tpu.memory_space<semaphore_mem>>) src(%dma_wait3A_337 : memref<128x128xf32, #tpu.memory_space<vmem>>) dst(%dma_wait3A_333 : memref<128x128xf32, #tpu.memory_space<vmem_shared>>)
      tpu.yield
    }) : () -> ()
    %mul3A_27 = arith.constant 624 : i32
    %mul3A_28 = arith.muli %arg1, %mul3A_27 : i32
    %add3A_29 = arith.constant 384 : i32
    %add3A_30 = arith.addi %mul3A_28, %add3A_29 : i32
    %run_scoped3A_31 = arith.constant 0 : i32
    "tpu.region"() ({
      %run_scoped3A_313 = tpu.sem_alloc : memref<!tpu.dma_semaphore, #tpu.memory_space<semaphore_mem>>
      %dma_start3A_314 = arith.constant 0 : i32
      %dma_start3A_315 = arith.constant 0 : i32
      %dma_start3A_316 = tpu.memref_slice %arg9[%run_scoped3A_31, %dma_start3A_314, %dma_start3A_315] : memref<2x128x128xf32, #tpu.memory_space<vmem>> -> memref<1x128x128xf32, #tpu.memory_space<vmem>>
      %dma_start3A_317 = tpu.memref_squeeze %dma_start3A_316 : memref<1x128x128xf32, #tpu.memory_space<vmem>> -> memref<128x128xf32, #tpu.memory_space<vmem>>
      %dma_start3A_318 = arith.constant 0 : i32
      %dma_start3A_319 = tpu.memref_slice %arg11[%add3A_30, %dma_start3A_318] : memref<10000x128xf32, #tpu.memory_space<vmem_shared>> -> memref<128x128xf32, #tpu.memory_space<vmem_shared>>
      %dma_start3A_320 = arith.constant 0 : i32
      %dma_start3A_321 = tpu.memref_slice %arg11[%add3A_30, %dma_start3A_320] : memref<10000x128xf32, #tpu.memory_space<vmem_shared>> -> memref<128x128xf32, #tpu.memory_space<vmem_shared>>
      %dma_start3A_322 = arith.constant 0 : i32
      %dma_start3A_323 = arith.constant 0 : i32
      %dma_start3A_324 = tpu.memref_slice %arg9[%run_scoped3A_31, %dma_start3A_322, %dma_start3A_323] : memref<2x128x128xf32, #tpu.memory_space<vmem>> -> memref<1x128x128xf32, #tpu.memory_space<vmem>>
      %dma_start3A_325 = tpu.memref_squeeze %dma_start3A_324 : memref<1x128x128xf32, #tpu.memory_space<vmem>> -> memref<128x128xf32, #tpu.memory_space<vmem>>
      tpu.enqueue_dma source(%dma_start3A_325 : memref<128x128xf32, #tpu.memory_space<vmem>>) target(%dma_start3A_321 : memref<128x128xf32, #tpu.memory_space<vmem_shared>>) target_semaphore(%run_scoped3A_313 : memref<!tpu.dma_semaphore, #tpu.memory_space<semaphore_mem>>)
      %dma_wait3A_326 = arith.constant 0 : i32
      %dma_wait3A_327 = arith.constant 0 : i32
      %dma_wait3A_328 = tpu.memref_slice %arg9[%run_scoped3A_31, %dma_wait3A_326, %dma_wait3A_327] : memref<2x128x128xf32, #tpu.memory_space<vmem>> -> memref<1x128x128xf32, #tpu.memory_space<vmem>>
      %dma_wait3A_329 = tpu.memref_squeeze %dma_wait3A_328 : memref<1x128x128xf32, #tpu.memory_space<vmem>> -> memref<128x128xf32, #tpu.memory_space<vmem>>
      %dma_wait3A_330 = arith.constant 0 : i32
      %dma_wait3A_331 = tpu.memref_slice %arg11[%add3A_30, %dma_wait3A_330] : memref<10000x128xf32, #tpu.memory_space<vmem_shared>> -> memref<128x128xf32, #tpu.memory_space<vmem_shared>>
      %dma_wait3A_332 = arith.constant 0 : i32
      %dma_wait3A_333 = tpu.memref_slice %arg11[%add3A_30, %dma_wait3A_332] : memref<10000x128xf32, #tpu.memory_space<vmem_shared>> -> memref<128x128xf32, #tpu.memory_space<vmem_shared>>
      %dma_wait3A_334 = arith.constant 0 : i32
      %dma_wait3A_335 = arith.constant 0 : i32
      %dma_wait3A_336 = tpu.memref_slice %arg9[%run_scoped3A_31, %dma_wait3A_334, %dma_wait3A_335] : memref<2x128x128xf32, #tpu.memory_space<vmem>> -> memref<1x128x128xf32, #tpu.memory_space<vmem>>
      %dma_wait3A_337 = tpu.memref_squeeze %dma_wait3A_336 : memref<1x128x128xf32, #tpu.memory_space<vmem>> -> memref<128x128xf32, #tpu.memory_space<vmem>>
      tpu.wait_dma2 semaphore(%run_scoped3A_313 : memref<!tpu.dma_semaphore, #tpu.memory_space<semaphore_mem>>) src(%dma_wait3A_337 : memref<128x128xf32, #tpu.memory_space<vmem>>) dst(%dma_wait3A_333 : memref<128x128xf32, #tpu.memory_space<vmem_shared>>)
      tpu.yield
    }) : () -> ()
    %mul3A_32 = arith.constant 624 : i32
    %mul3A_33 = arith.muli %arg1, %mul3A_32 : i32
    %add3A_34 = arith.constant 512 : i32
    %add3A_35 = arith.addi %mul3A_33, %add3A_34 : i32
    %run_scoped3A_36 = arith.constant 0 : i32
    "tpu.region"() ({
      %run_scoped3A_313 = tpu.sem_alloc : memref<!tpu.dma_semaphore, #tpu.memory_space<semaphore_mem>>
      %dma_start3A_314 = arith.constant 0 : i32
      %dma_start3A_315 = arith.constant 0 : i32
      %dma_start3A_316 = tpu.memref_slice %arg9[%run_scoped3A_36, %dma_start3A_314, %dma_start3A_315] : memref<2x128x128xf32, #tpu.memory_space<vmem>> -> memref<1x128x128xf32, #tpu.memory_space<vmem>>
      %dma_start3A_317 = tpu.memref_squeeze %dma_start3A_316 : memref<1x128x128xf32, #tpu.memory_space<vmem>> -> memref<128x128xf32, #tpu.memory_space<vmem>>
      %dma_start3A_318 = arith.constant 0 : i32
      %dma_start3A_319 = arith.constant 0 : i32
      %dma_start3A_320 = tpu.memref_slice %dma_start3A_317[%dma_start3A_318, %dma_start3A_319] : memref<128x128xf32, #tpu.memory_space<vmem>> -> memref<112x128xf32, #tpu.memory_space<vmem>>
      %dma_start3A_321 = arith.constant 0 : i32
      %dma_start3A_322 = tpu.memref_slice %arg11[%add3A_35, %dma_start3A_321] : memref<10000x128xf32, #tpu.memory_space<vmem_shared>> -> memref<112x128xf32, #tpu.memory_space<vmem_shared>>
      %dma_start3A_323 = arith.constant 0 : i32
      %dma_start3A_324 = tpu.memref_slice %arg11[%add3A_35, %dma_start3A_323] : memref<10000x128xf32, #tpu.memory_space<vmem_shared>> -> memref<112x128xf32, #tpu.memory_space<vmem_shared>>
      %dma_start3A_325 = arith.constant 0 : i32
      %dma_start3A_326 = arith.constant 0 : i32
      %dma_start3A_327 = tpu.memref_slice %arg9[%run_scoped3A_36, %dma_start3A_325, %dma_start3A_326] : memref<2x128x128xf32, #tpu.memory_space<vmem>> -> memref<1x128x128xf32, #tpu.memory_space<vmem>>
      %dma_start3A_328 = tpu.memref_squeeze %dma_start3A_327 : memref<1x128x128xf32, #tpu.memory_space<vmem>> -> memref<128x128xf32, #tpu.memory_space<vmem>>
      %dma_start3A_329 = arith.constant 0 : i32
      %dma_start3A_330 = arith.constant 0 : i32
      %dma_start3A_331 = tpu.memref_slice %dma_start3A_328[%dma_start3A_329, %dma_start3A_330] : memref<128x128xf32, #tpu.memory_space<vmem>> -> memref<112x128xf32, #tpu.memory_space<vmem>>
      tpu.enqueue_dma source(%dma_start3A_331 : memref<112x128xf32, #tpu.memory_space<vmem>>) target(%dma_start3A_324 : memref<112x128xf32, #tpu.memory_space<vmem_shared>>) target_semaphore(%run_scoped3A_313 : memref<!tpu.dma_semaphore, #tpu.memory_space<semaphore_mem>>)
      %dma_wait3A_332 = arith.constant 0 : i32
      %dma_wait3A_333 = arith.constant 0 : i32
      %dma_wait3A_334 = tpu.memref_slice %arg9[%run_scoped3A_36, %dma_wait3A_332, %dma_wait3A_333] : memref<2x128x128xf32, #tpu.memory_space<vmem>> -> memref<1x128x128xf32, #tpu.memory_space<vmem>>
      %dma_wait3A_335 = tpu.memref_squeeze %dma_wait3A_334 : memref<1x128x128xf32, #tpu.memory_space<vmem>> -> memref<128x128xf32, #tpu.memory_space<vmem>>
      %dma_wait3A_336 = arith.constant 0 : i32
      %dma_wait3A_337 = arith.constant 0 : i32
      %dma_wait3A_338 = tpu.memref_slice %dma_wait3A_335[%dma_wait3A_336, %dma_wait3A_337] : memref<128x128xf32, #tpu.memory_space<vmem>> -> memref<112x128xf32, #tpu.memory_space<vmem>>
      %dma_wait3A_339 = arith.constant 0 : i32
      %dma_wait3A_340 = tpu.memref_slice %arg11[%add3A_35, %dma_wait3A_339] : memref<10000x128xf32, #tpu.memory_space<vmem_shared>> -> memref<112x128xf32, #tpu.memory_space<vmem_shared>>
      %dma_wait3A_341 = arith.constant 0 : i32
      %dma_wait3A_342 = tpu.memref_slice %arg11[%add3A_35, %dma_wait3A_341] : memref<10000x128xf32, #tpu.memory_space<vmem_shared>> -> memref<112x128xf32, #tpu.memory_space<vmem_shared>>
      %dma_wait3A_343 = arith.constant 0 : i32
      %dma_wait3A_344 = arith.constant 0 : i32
      %dma_wait3A_345 = tpu.memref_slice %arg9[%run_scoped3A_36, %dma_wait3A_343, %dma_wait3A_344] : memref<2x128x128xf32, #tpu.memory_space<vmem>> -> memref<1x128x128xf32, #tpu.memory_space<vmem>>
      %dma_wait3A_346 = tpu.memref_squeeze %dma_wait3A_345 : memref<1x128x128xf32, #tpu.memory_space<vmem>> -> memref<128x128xf32, #tpu.memory_space<vmem>>
      %dma_wait3A_347 = arith.constant 0 : i32
      %dma_wait3A_348 = arith.constant 0 : i32
      %dma_wait3A_349 = tpu.memref_slice %dma_wait3A_346[%dma_wait3A_347, %dma_wait3A_348] : memref<128x128xf32, #tpu.memory_space<vmem>> -> memref<112x128xf32, #tpu.memory_space<vmem>>
      tpu.wait_dma2 semaphore(%run_scoped3A_313 : memref<!tpu.dma_semaphore, #tpu.memory_space<semaphore_mem>>) src(%dma_wait3A_349 : memref<112x128xf32, #tpu.memory_space<vmem>>) dst(%dma_wait3A_342 : memref<112x128xf32, #tpu.memory_space<vmem_shared>>)
      tpu.yield
    }) : () -> ()
    %eq3A = arith.constant 0 : i32
    %eq3A_37 = arith.cmpi eq, %arg1, %eq3A : i32
    %convert_element_type3A = arith.extui %eq3A_37 : i1 to i32
    %cond3A = arith.constant 0 : i32
    %cond3A_38 = arith.cmpi ne, %convert_element_type3A, %cond3A : i32
    scf.if %cond3A_38 {
      %run_scoped3A_313 = arith.constant 0 : i32
      "tpu.region"() ({
        %run_scoped3A_314 = tpu.sem_alloc : memref<!tpu.dma_semaphore, #tpu.memory_space<semaphore_mem>>
        %dma_start3A_315 = arith.constant 0 : i32
        %dma_start3A_316 = arith.constant 0 : i32
        %dma_start3A_317 = tpu.memref_slice %arg9[%run_scoped3A_313, %dma_start3A_315, %dma_start3A_316] : memref<2x128x128xf32, #tpu.memory_space<vmem>> -> memref<1x128x128xf32, #tpu.memory_space<vmem>>
        %dma_start3A_318 = tpu.memref_squeeze %dma_start3A_317 : memref<1x128x128xf32, #tpu.memory_space<vmem>> -> memref<128x128xf32, #tpu.memory_space<vmem>>
        %dma_start3A_319 = arith.constant 0 : i32
        %dma_start3A_320 = arith.constant 0 : i32
        %dma_start3A_321 = tpu.memref_slice %dma_start3A_318[%dma_start3A_319, %dma_start3A_320] : memref<128x128xf32, #tpu.memory_space<vmem>> -> memref<16x128xf32, #tpu.memory_space<vmem>>
        %dma_start3A_322 = arith.constant 9984 : i32
        %dma_start3A_323 = arith.constant 0 : i32
        %dma_start3A_324 = tpu.memref_slice %arg11[%dma_start3A_322, %dma_start3A_323] : memref<10000x128xf32, #tpu.memory_space<vmem_shared>> -> memref<16x128xf32, #tpu.memory_space<vmem_shared>>
        %dma_start3A_325 = arith.constant 9984 : i32
        %dma_start3A_326 = arith.constant 0 : i32
        %dma_start3A_327 = tpu.memref_slice %arg11[%dma_start3A_325, %dma_start3A_326] : memref<10000x128xf32, #tpu.memory_space<vmem_shared>> -> memref<16x128xf32, #tpu.memory_space<vmem_shared>>
        %dma_start3A_328 = arith.constant 0 : i32
        %dma_start3A_329 = arith.constant 0 : i32
        %dma_start3A_330 = tpu.memref_slice %arg9[%run_scoped3A_313, %dma_start3A_328, %dma_start3A_329] : memref<2x128x128xf32, #tpu.memory_space<vmem>> -> memref<1x128x128xf32, #tpu.memory_space<vmem>>
        %dma_start3A_331 = tpu.memref_squeeze %dma_start3A_330 : memref<1x128x128xf32, #tpu.memory_space<vmem>> -> memref<128x128xf32, #tpu.memory_space<vmem>>
        %dma_start3A_332 = arith.constant 0 : i32
        %dma_start3A_333 = arith.constant 0 : i32
        %dma_start3A_334 = tpu.memref_slice %dma_start3A_331[%dma_start3A_332, %dma_start3A_333] : memref<128x128xf32, #tpu.memory_space<vmem>> -> memref<16x128xf32, #tpu.memory_space<vmem>>
        tpu.enqueue_dma source(%dma_start3A_334 : memref<16x128xf32, #tpu.memory_space<vmem>>) target(%dma_start3A_327 : memref<16x128xf32, #tpu.memory_space<vmem_shared>>) target_semaphore(%run_scoped3A_314 : memref<!tpu.dma_semaphore, #tpu.memory_space<semaphore_mem>>)
        %dma_wait3A_335 = arith.constant 0 : i32
        %dma_wait3A_336 = arith.constant 0 : i32
        %dma_wait3A_337 = tpu.memref_slice %arg9[%run_scoped3A_313, %dma_wait3A_335, %dma_wait3A_336] : memref<2x128x128xf32, #tpu.memory_space<vmem>> -> memref<1x128x128xf32, #tpu.memory_space<vmem>>
        %dma_wait3A_338 = tpu.memref_squeeze %dma_wait3A_337 : memref<1x128x128xf32, #tpu.memory_space<vmem>> -> memref<128x128xf32, #tpu.memory_space<vmem>>
        %dma_wait3A_339 = arith.constant 0 : i32
        %dma_wait3A_340 = arith.constant 0 : i32
        %dma_wait3A_341 = tpu.memref_slice %dma_wait3A_338[%dma_wait3A_339, %dma_wait3A_340] : memref<128x128xf32, #tpu.memory_space<vmem>> -> memref<16x128xf32, #tpu.memory_space<vmem>>
        %dma_wait3A_342 = arith.constant 9984 : i32
        %dma_wait3A_343 = arith.constant 0 : i32
        %dma_wait3A_344 = tpu.memref_slice %arg11[%dma_wait3A_342, %dma_wait3A_343] : memref<10000x128xf32, #tpu.memory_space<vmem_shared>> -> memref<16x128xf32, #tpu.memory_space<vmem_shared>>
        %dma_wait3A_345 = arith.constant 9984 : i32
        %dma_wait3A_346 = arith.constant 0 : i32
        %dma_wait3A_347 = tpu.memref_slice %arg11[%dma_wait3A_345, %dma_wait3A_346] : memref<10000x128xf32, #tpu.memory_space<vmem_shared>> -> memref<16x128xf32, #tpu.memory_space<vmem_shared>>
        %dma_wait3A_348 = arith.constant 0 : i32
        %dma_wait3A_349 = arith.constant 0 : i32
        %dma_wait3A_350 = tpu.memref_slice %arg9[%run_scoped3A_313, %dma_wait3A_348, %dma_wait3A_349] : memref<2x128x128xf32, #tpu.memory_space<vmem>> -> memref<1x128x128xf32, #tpu.memory_space<vmem>>
        %dma_wait3A_351 = tpu.memref_squeeze %dma_wait3A_350 : memref<1x128x128xf32, #tpu.memory_space<vmem>> -> memref<128x128xf32, #tpu.memory_space<vmem>>
        %dma_wait3A_352 = arith.constant 0 : i32
        %dma_wait3A_353 = arith.constant 0 : i32
        %dma_wait3A_354 = tpu.memref_slice %dma_wait3A_351[%dma_wait3A_352, %dma_wait3A_353] : memref<128x128xf32, #tpu.memory_space<vmem>> -> memref<16x128xf32, #tpu.memory_space<vmem>>
        tpu.wait_dma2 semaphore(%run_scoped3A_314 : memref<!tpu.dma_semaphore, #tpu.memory_space<semaphore_mem>>) src(%dma_wait3A_354 : memref<16x128xf32, #tpu.memory_space<vmem>>) dst(%dma_wait3A_347 : memref<16x128xf32, #tpu.memory_space<vmem_shared>>)
        tpu.yield
      }) : () -> ()
    } else {
    }
    %barrier3A = arith.constant 0 : index
    tpu.barrier barrier_id(%barrier3A)
    %broadcast_in_dim3A_39 = arith.constant 1.000000e+00 : f32
    %broadcast_in_dim3A_40 = vector.broadcast %broadcast_in_dim3A_39 : f32 to vector<16xf32>
    %add3A_41 = arith.constant 0 : i32
    %add3A_42 = arith.addi %mul3A_2, %add3A_41 : i32
    %add3A_43 = arith.constant 320000 : i32
    %add3A_44 = arith.addi %add3A_43, %mul3A_2 : i32
    %add3A_45 = arith.constant 0 : i32
    %add3A_46 = arith.addi %add3A_44, %add3A_45 : i32
    %dma_start3A = arith.constant 0 : i32
    %dma_start3A_47 = arith.constant 0 : i32
    %dma_start3A_48 = tpu.memref_slice %arg6[%dma_start3A, %dma_start3A_47] : memref<2x128xi32, #tpu.memory_space<vmem>> -> memref<1x128xi32, #tpu.memory_space<vmem>>
    %dma_start3A_49 = tpu.memref_squeeze %dma_start3A_48 : memref<1x128xi32, #tpu.memory_space<vmem>> -> memref<128xi32, #tpu.memory_space<vmem>>
    %dma_start3A_50 = tpu.memref_slice %arg2[%add3A_42] : memref<640000xi32, #tpu.memory_space<hbm>> -> memref<128xi32, #tpu.memory_space<hbm>>
    %dma_start3A_51 = arith.constant 0 : i32
    %dma_start3A_52 = tpu.memref_slice %arg6[%dma_start3A, %dma_start3A_51] : memref<2x128xi32, #tpu.memory_space<vmem>> -> memref<1x128xi32, #tpu.memory_space<vmem>>
    %dma_start3A_53 = tpu.memref_squeeze %dma_start3A_52 : memref<1x128xi32, #tpu.memory_space<vmem>> -> memref<128xi32, #tpu.memory_space<vmem>>
    %dma_start3A_54 = tpu.memref_slice %arg2[%add3A_42] : memref<640000xi32, #tpu.memory_space<hbm>> -> memref<128xi32, #tpu.memory_space<hbm>>
    tpu.enqueue_dma source(%dma_start3A_54 : memref<128xi32, #tpu.memory_space<hbm>>) target(%dma_start3A_53 : memref<128xi32, #tpu.memory_space<vmem>>) target_semaphore(%arg14 : memref<!tpu.dma_semaphore, #tpu.memory_space<semaphore_mem>>)
    %dma_start3A_55 = arith.constant 0 : i32
    %dma_start3A_56 = arith.constant 0 : i32
    %dma_start3A_57 = tpu.memref_slice %arg7[%dma_start3A_55, %dma_start3A_56] : memref<2x128xi32, #tpu.memory_space<vmem>> -> memref<1x128xi32, #tpu.memory_space<vmem>>
    %dma_start3A_58 = tpu.memref_squeeze %dma_start3A_57 : memref<1x128xi32, #tpu.memory_space<vmem>> -> memref<128xi32, #tpu.memory_space<vmem>>
    %dma_start3A_59 = tpu.memref_slice %arg2[%add3A_46] : memref<640000xi32, #tpu.memory_space<hbm>> -> memref<128xi32, #tpu.memory_space<hbm>>
    %dma_start3A_60 = arith.constant 0 : i32
    %dma_start3A_61 = tpu.memref_slice %arg7[%dma_start3A_55, %dma_start3A_60] : memref<2x128xi32, #tpu.memory_space<vmem>> -> memref<1x128xi32, #tpu.memory_space<vmem>>
    %dma_start3A_62 = tpu.memref_squeeze %dma_start3A_61 : memref<1x128xi32, #tpu.memory_space<vmem>> -> memref<128xi32, #tpu.memory_space<vmem>>
    %dma_start3A_63 = tpu.memref_slice %arg2[%add3A_46] : memref<640000xi32, #tpu.memory_space<hbm>> -> memref<128xi32, #tpu.memory_space<hbm>>
    tpu.enqueue_dma source(%dma_start3A_63 : memref<128xi32, #tpu.memory_space<hbm>>) target(%dma_start3A_62 : memref<128xi32, #tpu.memory_space<vmem>>) target_semaphore(%arg14 : memref<!tpu.dma_semaphore, #tpu.memory_space<semaphore_mem>>)
    %add3A_64 = arith.constant 128 : i32
    %add3A_65 = arith.addi %mul3A_2, %add3A_64 : i32
    %add3A_66 = arith.constant 320000 : i32
    %add3A_67 = arith.addi %add3A_66, %mul3A_2 : i32
    %add3A_68 = arith.constant 128 : i32
    %add3A_69 = arith.addi %add3A_67, %add3A_68 : i32
    %dma_start3A_70 = arith.constant 1 : i32
    %dma_start3A_71 = arith.constant 0 : i32
    %dma_start3A_72 = tpu.memref_slice %arg6[%dma_start3A_70, %dma_start3A_71] : memref<2x128xi32, #tpu.memory_space<vmem>> -> memref<1x128xi32, #tpu.memory_space<vmem>>
    %dma_start3A_73 = tpu.memref_squeeze %dma_start3A_72 : memref<1x128xi32, #tpu.memory_space<vmem>> -> memref<128xi32, #tpu.memory_space<vmem>>
    %dma_start3A_74 = tpu.memref_slice %arg2[%add3A_65] : memref<640000xi32, #tpu.memory_space<hbm>> -> memref<128xi32, #tpu.memory_space<hbm>>
    %dma_start3A_75 = arith.constant 0 : i32
    %dma_start3A_76 = tpu.memref_slice %arg6[%dma_start3A_70, %dma_start3A_75] : memref<2x128xi32, #tpu.memory_space<vmem>> -> memref<1x128xi32, #tpu.memory_space<vmem>>
    %dma_start3A_77 = tpu.memref_squeeze %dma_start3A_76 : memref<1x128xi32, #tpu.memory_space<vmem>> -> memref<128xi32, #tpu.memory_space<vmem>>
    %dma_start3A_78 = tpu.memref_slice %arg2[%add3A_65] : memref<640000xi32, #tpu.memory_space<hbm>> -> memref<128xi32, #tpu.memory_space<hbm>>
    tpu.enqueue_dma source(%dma_start3A_78 : memref<128xi32, #tpu.memory_space<hbm>>) target(%dma_start3A_77 : memref<128xi32, #tpu.memory_space<vmem>>) target_semaphore(%arg15 : memref<!tpu.dma_semaphore, #tpu.memory_space<semaphore_mem>>)
    %dma_start3A_79 = arith.constant 1 : i32
    %dma_start3A_80 = arith.constant 0 : i32
    %dma_start3A_81 = tpu.memref_slice %arg7[%dma_start3A_79, %dma_start3A_80] : memref<2x128xi32, #tpu.memory_space<vmem>> -> memref<1x128xi32, #tpu.memory_space<vmem>>
    %dma_start3A_82 = tpu.memref_squeeze %dma_start3A_81 : memref<1x128xi32, #tpu.memory_space<vmem>> -> memref<128xi32, #tpu.memory_space<vmem>>
    %dma_start3A_83 = tpu.memref_slice %arg2[%add3A_69] : memref<640000xi32, #tpu.memory_space<hbm>> -> memref<128xi32, #tpu.memory_space<hbm>>
    %dma_start3A_84 = arith.constant 0 : i32
    %dma_start3A_85 = tpu.memref_slice %arg7[%dma_start3A_79, %dma_start3A_84] : memref<2x128xi32, #tpu.memory_space<vmem>> -> memref<1x128xi32, #tpu.memory_space<vmem>>
    %dma_start3A_86 = tpu.memref_squeeze %dma_start3A_85 : memref<1x128xi32, #tpu.memory_space<vmem>> -> memref<128xi32, #tpu.memory_space<vmem>>
    %dma_start3A_87 = tpu.memref_slice %arg2[%add3A_69] : memref<640000xi32, #tpu.memory_space<hbm>> -> memref<128xi32, #tpu.memory_space<hbm>>
    tpu.enqueue_dma source(%dma_start3A_87 : memref<128xi32, #tpu.memory_space<hbm>>) target(%dma_start3A_86 : memref<128xi32, #tpu.memory_space<vmem>>) target_semaphore(%arg15 : memref<!tpu.dma_semaphore, #tpu.memory_space<semaphore_mem>>)
    %add3A_88 = arith.constant 0 : i32
    %add3A_89 = arith.addi %mul3A_2, %add3A_88 : i32
    %add3A_90 = arith.constant 320000 : i32
    %add3A_91 = arith.addi %add3A_90, %mul3A_2 : i32
    %add3A_92 = arith.constant 0 : i32
    %add3A_93 = arith.addi %add3A_91, %add3A_92 : i32
    %dma_wait3A = arith.constant 0 : i32
    %dma_wait3A_94 = arith.constant 0 : i32
    %dma_wait3A_95 = tpu.memref_slice %arg6[%dma_wait3A, %dma_wait3A_94] : memref<2x128xi32, #tpu.memory_space<vmem>> -> memref<1x128xi32, #tpu.memory_space<vmem>>
    %dma_wait3A_96 = tpu.memref_squeeze %dma_wait3A_95 : memref<1x128xi32, #tpu.memory_space<vmem>> -> memref<128xi32, #tpu.memory_space<vmem>>
    %dma_wait3A_97 = tpu.memref_slice %arg2[%add3A_89] : memref<640000xi32, #tpu.memory_space<hbm>> -> memref<128xi32, #tpu.memory_space<hbm>>
    %dma_wait3A_98 = arith.constant 0 : i32
    %dma_wait3A_99 = tpu.memref_slice %arg6[%dma_wait3A, %dma_wait3A_98] : memref<2x128xi32, #tpu.memory_space<vmem>> -> memref<1x128xi32, #tpu.memory_space<vmem>>
    %dma_wait3A_100 = tpu.memref_squeeze %dma_wait3A_99 : memref<1x128xi32, #tpu.memory_space<vmem>> -> memref<128xi32, #tpu.memory_space<vmem>>
    %dma_wait3A_101 = tpu.memref_slice %arg2[%add3A_89] : memref<640000xi32, #tpu.memory_space<hbm>> -> memref<128xi32, #tpu.memory_space<hbm>>
    tpu.wait_dma2 semaphore(%arg14 : memref<!tpu.dma_semaphore, #tpu.memory_space<semaphore_mem>>) src(%dma_wait3A_101 : memref<128xi32, #tpu.memory_space<hbm>>) dst(%dma_wait3A_100 : memref<128xi32, #tpu.memory_space<vmem>>)
    %dma_wait3A_102 = arith.constant 0 : i32
    %dma_wait3A_103 = arith.constant 0 : i32
    %dma_wait3A_104 = tpu.memref_slice %arg7[%dma_wait3A_102, %dma_wait3A_103] : memref<2x128xi32, #tpu.memory_space<vmem>> -> memref<1x128xi32, #tpu.memory_space<vmem>>
    %dma_wait3A_105 = tpu.memref_squeeze %dma_wait3A_104 : memref<1x128xi32, #tpu.memory_space<vmem>> -> memref<128xi32, #tpu.memory_space<vmem>>
    %dma_wait3A_106 = tpu.memref_slice %arg2[%add3A_93] : memref<640000xi32, #tpu.memory_space<hbm>> -> memref<128xi32, #tpu.memory_space<hbm>>
    %dma_wait3A_107 = arith.constant 0 : i32
    %dma_wait3A_108 = tpu.memref_slice %arg7[%dma_wait3A_102, %dma_wait3A_107] : memref<2x128xi32, #tpu.memory_space<vmem>> -> memref<1x128xi32, #tpu.memory_space<vmem>>
    %dma_wait3A_109 = tpu.memref_squeeze %dma_wait3A_108 : memref<1x128xi32, #tpu.memory_space<vmem>> -> memref<128xi32, #tpu.memory_space<vmem>>
    %dma_wait3A_110 = tpu.memref_slice %arg2[%add3A_93] : memref<640000xi32, #tpu.memory_space<hbm>> -> memref<128xi32, #tpu.memory_space<hbm>>
    tpu.wait_dma2 semaphore(%arg14 : memref<!tpu.dma_semaphore, #tpu.memory_space<semaphore_mem>>) src(%dma_wait3A_110 : memref<128xi32, #tpu.memory_space<hbm>>) dst(%dma_wait3A_109 : memref<128xi32, #tpu.memory_space<vmem>>)
    %dma_start3A_111 = arith.constant 0 : i32
    %dma_start3A_112 = arith.constant 0 : i32
    %dma_start3A_113 = arith.constant 0 : i32
    %dma_start3A_114 = arith.constant 0 : i32
    %dma_start3A_115 = tpu.memref_slice %arg9[%dma_start3A_112, %dma_start3A_113, %dma_start3A_114] : memref<2x128x128xf32, #tpu.memory_space<vmem>> -> memref<1x128x128xf32, #tpu.memory_space<vmem>>
    %dma_start3A_116 = tpu.memref_squeeze %dma_start3A_115 : memref<1x128x128xf32, #tpu.memory_space<vmem>> -> memref<128x128xf32, #tpu.memory_space<vmem>>
    %dma_start3A_117 = arith.constant 0 : i32
    %dma_start3A_118 = tpu.memref_slice %arg6[%dma_start3A_111, %dma_start3A_117] : memref<2x128xi32, #tpu.memory_space<vmem>> -> memref<1x128xi32, #tpu.memory_space<vmem>>
    %dma_start3A_119 = tpu.memref_squeeze %dma_start3A_118 : memref<1x128xi32, #tpu.memory_space<vmem>> -> memref<128xi32, #tpu.memory_space<vmem>>
    %dma_start3A_120 = arith.constant 0 : i32
    %dma_start3A_121 = arith.constant 0 : i32
    %dma_start3A_122 = tpu.memref_slice %arg3[%dma_start3A_120, %dma_start3A_121] : memref<10000x128xf32, #tpu.memory_space<hbm>> -> memref<10000x128xf32, #tpu.memory_space<hbm>>
    tpu.enqueue_indirect_dma source(%dma_start3A_122 : memref<10000x128xf32, #tpu.memory_space<hbm>>) target(%dma_start3A_116 : memref<128x128xf32, #tpu.memory_space<vmem>>) offsets(%dma_start3A_119 : memref<128xi32, #tpu.memory_space<vmem>>) semaphore(%arg12 : memref<!tpu.dma_semaphore, #tpu.memory_space<semaphore_mem>>)
    %scan3A_123 = arith.constant 0 : i32
    %scan3A_124 = arith.constant 38 : i32
    %scan3A_125 = arith.addi %scan3A_123, %scan3A_124 : i32
    %scan3A_126 = arith.constant 1 : i32
    scf.for %scan3A_313 = %scan3A_123 to %scan3A_125 step %scan3A_126  : i32 {
      %mul3A_314 = arith.constant 1 : i32
      %mul3A_315 = arith.muli %scan3A_313, %mul3A_314 : i32
      %add3A_316 = arith.constant 0 : i32
      %add3A_317 = arith.addi %add3A_316, %mul3A_315 : i32
      %mul3A_318 = arith.constant 2 : i32
      %mul3A_319 = arith.muli %mul3A_318, %add3A_317 : i32
      %add3A_320 = arith.constant 0 : i32
      %add3A_321 = arith.addi %mul3A_319, %add3A_320 : i32
      %dma_wait3A_322 = arith.constant 0 : i32
      %dma_wait3A_323 = arith.constant 0 : i32
      %dma_wait3A_324 = arith.constant 0 : i32
      %dma_wait3A_325 = arith.constant 0 : i32
      %dma_wait3A_326 = tpu.memref_slice %arg9[%dma_wait3A_323, %dma_wait3A_324, %dma_wait3A_325] : memref<2x128x128xf32, #tpu.memory_space<vmem>> -> memref<1x128x128xf32, #tpu.memory_space<vmem>>
      %dma_wait3A_327 = tpu.memref_squeeze %dma_wait3A_326 : memref<1x128x128xf32, #tpu.memory_space<vmem>> -> memref<128x128xf32, #tpu.memory_space<vmem>>
      %dma_wait3A_328 = arith.constant 0 : i32
      %dma_wait3A_329 = tpu.memref_slice %arg6[%dma_wait3A_322, %dma_wait3A_328] : memref<2x128xi32, #tpu.memory_space<vmem>> -> memref<1x128xi32, #tpu.memory_space<vmem>>
      %dma_wait3A_330 = tpu.memref_squeeze %dma_wait3A_329 : memref<1x128xi32, #tpu.memory_space<vmem>> -> memref<128xi32, #tpu.memory_space<vmem>>
      %dma_wait3A_331 = arith.constant 0 : i32
      %dma_wait3A_332 = arith.constant 0 : i32
      %dma_wait3A_333 = tpu.memref_slice %arg3[%dma_wait3A_331, %dma_wait3A_332] : memref<10000x128xf32, #tpu.memory_space<hbm>> -> memref<10000x128xf32, #tpu.memory_space<hbm>>
      tpu.wait_indirect_dma semaphore(%arg12 : memref<!tpu.dma_semaphore, #tpu.memory_space<semaphore_mem>>) src(%dma_wait3A_333 : memref<10000x128xf32, #tpu.memory_space<hbm>>) dst(%dma_wait3A_327 : memref<128x128xf32, #tpu.memory_space<vmem>>)
      %add3A_334 = arith.constant 1 : i32
      %add3A_335 = arith.addi %add3A_321, %add3A_334 : i32
      %mul3A_336 = arith.constant 128 : i32
      %mul3A_337 = arith.muli %add3A_335, %mul3A_336 : i32
      %add3A_338 = arith.addi %mul3A_2, %mul3A_337 : i32
      %add3A_339 = arith.constant 320000 : i32
      %add3A_340 = arith.addi %add3A_339, %mul3A_2 : i32
      %mul3A_341 = arith.constant 128 : i32
      %mul3A_342 = arith.muli %add3A_335, %mul3A_341 : i32
      %add3A_343 = arith.addi %add3A_340, %mul3A_342 : i32
      %dma_wait3A_344 = arith.constant 1 : i32
      %dma_wait3A_345 = arith.constant 0 : i32
      %dma_wait3A_346 = tpu.memref_slice %arg6[%dma_wait3A_344, %dma_wait3A_345] : memref<2x128xi32, #tpu.memory_space<vmem>> -> memref<1x128xi32, #tpu.memory_space<vmem>>
      %dma_wait3A_347 = tpu.memref_squeeze %dma_wait3A_346 : memref<1x128xi32, #tpu.memory_space<vmem>> -> memref<128xi32, #tpu.memory_space<vmem>>
      %dma_wait3A_348 = tpu.memref_slice %arg2[%add3A_338] : memref<640000xi32, #tpu.memory_space<hbm>> -> memref<128xi32, #tpu.memory_space<hbm>>
      %dma_wait3A_349 = arith.constant 0 : i32
      %dma_wait3A_350 = tpu.memref_slice %arg6[%dma_wait3A_344, %dma_wait3A_349] : memref<2x128xi32, #tpu.memory_space<vmem>> -> memref<1x128xi32, #tpu.memory_space<vmem>>
      %dma_wait3A_351 = tpu.memref_squeeze %dma_wait3A_350 : memref<1x128xi32, #tpu.memory_space<vmem>> -> memref<128xi32, #tpu.memory_space<vmem>>
      %dma_wait3A_352 = tpu.memref_slice %arg2[%add3A_338] : memref<640000xi32, #tpu.memory_space<hbm>> -> memref<128xi32, #tpu.memory_space<hbm>>
      tpu.wait_dma2 semaphore(%arg15 : memref<!tpu.dma_semaphore, #tpu.memory_space<semaphore_mem>>) src(%dma_wait3A_352 : memref<128xi32, #tpu.memory_space<hbm>>) dst(%dma_wait3A_351 : memref<128xi32, #tpu.memory_space<vmem>>)
      %dma_wait3A_353 = arith.constant 1 : i32
      %dma_wait3A_354 = arith.constant 0 : i32
      %dma_wait3A_355 = tpu.memref_slice %arg7[%dma_wait3A_353, %dma_wait3A_354] : memref<2x128xi32, #tpu.memory_space<vmem>> -> memref<1x128xi32, #tpu.memory_space<vmem>>
      %dma_wait3A_356 = tpu.memref_squeeze %dma_wait3A_355 : memref<1x128xi32, #tpu.memory_space<vmem>> -> memref<128xi32, #tpu.memory_space<vmem>>
      %dma_wait3A_357 = tpu.memref_slice %arg2[%add3A_343] : memref<640000xi32, #tpu.memory_space<hbm>> -> memref<128xi32, #tpu.memory_space<hbm>>
      %dma_wait3A_358 = arith.constant 0 : i32
      %dma_wait3A_359 = tpu.memref_slice %arg7[%dma_wait3A_353, %dma_wait3A_358] : memref<2x128xi32, #tpu.memory_space<vmem>> -> memref<1x128xi32, #tpu.memory_space<vmem>>
      %dma_wait3A_360 = tpu.memref_squeeze %dma_wait3A_359 : memref<1x128xi32, #tpu.memory_space<vmem>> -> memref<128xi32, #tpu.memory_space<vmem>>
      %dma_wait3A_361 = tpu.memref_slice %arg2[%add3A_343] : memref<640000xi32, #tpu.memory_space<hbm>> -> memref<128xi32, #tpu.memory_space<hbm>>
      tpu.wait_dma2 semaphore(%arg15 : memref<!tpu.dma_semaphore, #tpu.memory_space<semaphore_mem>>) src(%dma_wait3A_361 : memref<128xi32, #tpu.memory_space<hbm>>) dst(%dma_wait3A_360 : memref<128xi32, #tpu.memory_space<vmem>>)
      %dma_start3A_362 = arith.constant 1 : i32
      %dma_start3A_363 = arith.constant 1 : i32
      %dma_start3A_364 = arith.constant 0 : i32
      %dma_start3A_365 = arith.constant 0 : i32
      %dma_start3A_366 = tpu.memref_slice %arg9[%dma_start3A_363, %dma_start3A_364, %dma_start3A_365] : memref<2x128x128xf32, #tpu.memory_space<vmem>> -> memref<1x128x128xf32, #tpu.memory_space<vmem>>
      %dma_start3A_367 = tpu.memref_squeeze %dma_start3A_366 : memref<1x128x128xf32, #tpu.memory_space<vmem>> -> memref<128x128xf32, #tpu.memory_space<vmem>>
      %dma_start3A_368 = arith.constant 0 : i32
      %dma_start3A_369 = tpu.memref_slice %arg6[%dma_start3A_362, %dma_start3A_368] : memref<2x128xi32, #tpu.memory_space<vmem>> -> memref<1x128xi32, #tpu.memory_space<vmem>>
      %dma_start3A_370 = tpu.memref_squeeze %dma_start3A_369 : memref<1x128xi32, #tpu.memory_space<vmem>> -> memref<128xi32, #tpu.memory_space<vmem>>
      %dma_start3A_371 = arith.constant 0 : i32
      %dma_start3A_372 = arith.constant 0 : i32
      %dma_start3A_373 = tpu.memref_slice %arg3[%dma_start3A_371, %dma_start3A_372] : memref<10000x128xf32, #tpu.memory_space<hbm>> -> memref<10000x128xf32, #tpu.memory_space<hbm>>
      tpu.enqueue_indirect_dma source(%dma_start3A_373 : memref<10000x128xf32, #tpu.memory_space<hbm>>) target(%dma_start3A_367 : memref<128x128xf32, #tpu.memory_space<vmem>>) offsets(%dma_start3A_370 : memref<128xi32, #tpu.memory_space<vmem>>) semaphore(%arg13 : memref<!tpu.dma_semaphore, #tpu.memory_space<semaphore_mem>>)
      %run_scoped3A_374 = arith.constant 0 : i32
      %run_scoped3A_375 = arith.constant 0 : i32
      "tpu.region"() ({
        %run_scoped3A_554 = tpu.sem_alloc : memref<!tpu.dma_semaphore, #tpu.memory_space<semaphore_mem>>
        %dma_start3A_555 = arith.constant 0 : i32
        %dma_start3A_556 = arith.constant 0 : i32
        %dma_start3A_557 = tpu.memref_slice %arg9[%run_scoped3A_374, %dma_start3A_555, %dma_start3A_556] : memref<2x128x128xf32, #tpu.memory_space<vmem>> -> memref<1x128x128xf32, #tpu.memory_space<vmem>>
        %dma_start3A_558 = tpu.memref_squeeze %dma_start3A_557 : memref<1x128x128xf32, #tpu.memory_space<vmem>> -> memref<128x128xf32, #tpu.memory_space<vmem>>
        %dma_start3A_559 = arith.constant 0 : i32
        %dma_start3A_560 = tpu.memref_slice %arg7[%run_scoped3A_375, %dma_start3A_559] : memref<2x128xi32, #tpu.memory_space<vmem>> -> memref<1x128xi32, #tpu.memory_space<vmem>>
        %dma_start3A_561 = tpu.memref_squeeze %dma_start3A_560 : memref<1x128xi32, #tpu.memory_space<vmem>> -> memref<128xi32, #tpu.memory_space<vmem>>
        %dma_start3A_562 = arith.constant 0 : i32
        %dma_start3A_563 = arith.constant 0 : i32
        %dma_start3A_564 = tpu.memref_slice %arg11[%dma_start3A_562, %dma_start3A_563] : memref<10000x128xf32, #tpu.memory_space<vmem_shared>> -> memref<10000x128xf32, #tpu.memory_space<vmem_shared>>
        tpu.enqueue_indirect_dma source(%dma_start3A_558 : memref<128x128xf32, #tpu.memory_space<vmem>>) target(%dma_start3A_564 : memref<10000x128xf32, #tpu.memory_space<vmem_shared>>) offsets(%dma_start3A_561 : memref<128xi32, #tpu.memory_space<vmem>>) semaphore(%run_scoped3A_554 : memref<!tpu.dma_semaphore, #tpu.memory_space<semaphore_mem>>) {add = true}
        %dma_wait3A_565 = arith.constant 0 : i32
        %dma_wait3A_566 = arith.constant 0 : i32
        %dma_wait3A_567 = tpu.memref_slice %arg9[%run_scoped3A_374, %dma_wait3A_565, %dma_wait3A_566] : memref<2x128x128xf32, #tpu.memory_space<vmem>> -> memref<1x128x128xf32, #tpu.memory_space<vmem>>
        %dma_wait3A_568 = tpu.memref_squeeze %dma_wait3A_567 : memref<1x128x128xf32, #tpu.memory_space<vmem>> -> memref<128x128xf32, #tpu.memory_space<vmem>>
        %dma_wait3A_569 = arith.constant 0 : i32
        %dma_wait3A_570 = tpu.memref_slice %arg7[%run_scoped3A_375, %dma_wait3A_569] : memref<2x128xi32, #tpu.memory_space<vmem>> -> memref<1x128xi32, #tpu.memory_space<vmem>>
        %dma_wait3A_571 = tpu.memref_squeeze %dma_wait3A_570 : memref<1x128xi32, #tpu.memory_space<vmem>> -> memref<128xi32, #tpu.memory_space<vmem>>
        %dma_wait3A_572 = arith.constant 0 : i32
        %dma_wait3A_573 = arith.constant 0 : i32
        %dma_wait3A_574 = tpu.memref_slice %arg11[%dma_wait3A_572, %dma_wait3A_573] : memref<10000x128xf32, #tpu.memory_space<vmem_shared>> -> memref<10000x128xf32, #tpu.memory_space<vmem_shared>>
        tpu.wait_indirect_dma semaphore(%run_scoped3A_554 : memref<!tpu.dma_semaphore, #tpu.memory_space<semaphore_mem>>) src(%dma_wait3A_568 : memref<128x128xf32, #tpu.memory_space<vmem>>) dst(%dma_wait3A_574 : memref<10000x128xf32, #tpu.memory_space<vmem_shared>>)
        tpu.yield
      }) : () -> ()
      %get3A_376 = arith.constant 0 : i32
      %get3A_377 = arith.index_cast %get3A_376 : i32 to index
      %get3A_378 = arith.constant 0 : index
      %get3A_379 = tpu.vector_load %arg7[%get3A_377, %get3A_378] {strides = array<i32>} : memref<2x128xi32, #tpu.memory_space<vmem>>, vector<16xi32>,
      tpu.vector_store_idx %arg10[%get3A_379], %broadcast_in_dim3A_40 {add = true} : memref<10000xf32, #tpu.memory_space<vmem>>[vector<16xi32>], vector<16xf32>,
      %get3A_380 = arith.constant 0 : i32
      %get3A_381 = arith.index_cast %get3A_380 : i32 to index
      %get3A_382 = arith.constant 16 : index
      %get3A_383 = tpu.vector_load %arg7[%get3A_381, %get3A_382] {strides = array<i32>} : memref<2x128xi32, #tpu.memory_space<vmem>>, vector<16xi32>,
      tpu.vector_store_idx %arg10[%get3A_383], %broadcast_in_dim3A_40 {add = true} : memref<10000xf32, #tpu.memory_space<vmem>>[vector<16xi32>], vector<16xf32>,
      %get3A_384 = arith.constant 0 : i32
      %get3A_385 = arith.index_cast %get3A_384 : i32 to index
      %get3A_386 = arith.constant 32 : index
      %get3A_387 = tpu.vector_load %arg7[%get3A_385, %get3A_386] {strides = array<i32>} : memref<2x128xi32, #tpu.memory_space<vmem>>, vector<16xi32>,
      tpu.vector_store_idx %arg10[%get3A_387], %broadcast_in_dim3A_40 {add = true} : memref<10000xf32, #tpu.memory_space<vmem>>[vector<16xi32>], vector<16xf32>,
      %get3A_388 = arith.constant 0 : i32
      %get3A_389 = arith.index_cast %get3A_388 : i32 to index
      %get3A_390 = arith.constant 48 : index
      %get3A_391 = tpu.vector_load %arg7[%get3A_389, %get3A_390] {strides = array<i32>} : memref<2x128xi32, #tpu.memory_space<vmem>>, vector<16xi32>,
      tpu.vector_store_idx %arg10[%get3A_391], %broadcast_in_dim3A_40 {add = true} : memref<10000xf32, #tpu.memory_space<vmem>>[vector<16xi32>], vector<16xf32>,
      %get3A_392 = arith.constant 0 : i32
      %get3A_393 = arith.index_cast %get3A_392 : i32 to index
      %get3A_394 = arith.constant 64 : index
      %get3A_395 = tpu.vector_load %arg7[%get3A_393, %get3A_394] {strides = array<i32>} : memref<2x128xi32, #tpu.memory_space<vmem>>, vector<16xi32>,
      tpu.vector_store_idx %arg10[%get3A_395], %broadcast_in_dim3A_40 {add = true} : memref<10000xf32, #tpu.memory_space<vmem>>[vector<16xi32>], vector<16xf32>,
      %get3A_396 = arith.constant 0 : i32
      %get3A_397 = arith.index_cast %get3A_396 : i32 to index
      %get3A_398 = arith.constant 80 : index
      %get3A_399 = tpu.vector_load %arg7[%get3A_397, %get3A_398] {strides = array<i32>} : memref<2x128xi32, #tpu.memory_space<vmem>>, vector<16xi32>,
      tpu.vector_store_idx %arg10[%get3A_399], %broadcast_in_dim3A_40 {add = true} : memref<10000xf32, #tpu.memory_space<vmem>>[vector<16xi32>], vector<16xf32>,
      %get3A_400 = arith.constant 0 : i32
      %get3A_401 = arith.index_cast %get3A_400 : i32 to index
      %get3A_402 = arith.constant 96 : index
      %get3A_403 = tpu.vector_load %arg7[%get3A_401, %get3A_402] {strides = array<i32>} : memref<2x128xi32, #tpu.memory_space<vmem>>, vector<16xi32>,
      tpu.vector_store_idx %arg10[%get3A_403], %broadcast_in_dim3A_40 {add = true} : memref<10000xf32, #tpu.memory_space<vmem>>[vector<16xi32>], vector<16xf32>,
      %get3A_404 = arith.constant 0 : i32
      %get3A_405 = arith.index_cast %get3A_404 : i32 to index
      %get3A_406 = arith.constant 112 : index
      %get3A_407 = tpu.vector_load %arg7[%get3A_405, %get3A_406] {strides = array<i32>} : memref<2x128xi32, #tpu.memory_space<vmem>>, vector<16xi32>,
      tpu.vector_store_idx %arg10[%get3A_407], %broadcast_in_dim3A_40 {add = true} : memref<10000xf32, #tpu.memory_space<vmem>>[vector<16xi32>], vector<16xf32>,
      %add3A_408 = arith.constant 2 : i32
      %add3A_409 = arith.addi %add3A_321, %add3A_408 : i32
      %mul3A_410 = arith.constant 128 : i32
      %mul3A_411 = arith.muli %add3A_409, %mul3A_410 : i32
      %add3A_412 = arith.addi %mul3A_2, %mul3A_411 : i32
      %add3A_413 = arith.constant 320000 : i32
      %add3A_414 = arith.addi %add3A_413, %mul3A_2 : i32
      %mul3A_415 = arith.constant 128 : i32
      %mul3A_416 = arith.muli %add3A_409, %mul3A_415 : i32
      %add3A_417 = arith.addi %add3A_414, %mul3A_416 : i32
      %dma_start3A_418 = arith.constant 0 : i32
      %dma_start3A_419 = arith.constant 0 : i32
      %dma_start3A_420 = tpu.memref_slice %arg6[%dma_start3A_418, %dma_start3A_419] : memref<2x128xi32, #tpu.memory_space<vmem>> -> memref<1x128xi32, #tpu.memory_space<vmem>>
      %dma_start3A_421 = tpu.memref_squeeze %dma_start3A_420 : memref<1x128xi32, #tpu.memory_space<vmem>> -> memref<128xi32, #tpu.memory_space<vmem>>
      %dma_start3A_422 = tpu.memref_slice %arg2[%add3A_412] : memref<640000xi32, #tpu.memory_space<hbm>> -> memref<128xi32, #tpu.memory_space<hbm>>
      %dma_start3A_423 = arith.constant 0 : i32
      %dma_start3A_424 = tpu.memref_slice %arg6[%dma_start3A_418, %dma_start3A_423] : memref<2x128xi32, #tpu.memory_space<vmem>> -> memref<1x128xi32, #tpu.memory_space<vmem>>
      %dma_start3A_425 = tpu.memref_squeeze %dma_start3A_424 : memref<1x128xi32, #tpu.memory_space<vmem>> -> memref<128xi32, #tpu.memory_space<vmem>>
      %dma_start3A_426 = tpu.memref_slice %arg2[%add3A_412] : memref<640000xi32, #tpu.memory_space<hbm>> -> memref<128xi32, #tpu.memory_space<hbm>>
      tpu.enqueue_dma source(%dma_start3A_426 : memref<128xi32, #tpu.memory_space<hbm>>) target(%dma_start3A_425 : memref<128xi32, #tpu.memory_space<vmem>>) target_semaphore(%arg14 : memref<!tpu.dma_semaphore, #tpu.memory_space<semaphore_mem>>)
      %dma_start3A_427 = arith.constant 0 : i32
      %dma_start3A_428 = arith.constant 0 : i32
      %dma_start3A_429 = tpu.memref_slice %arg7[%dma_start3A_427, %dma_start3A_428] : memref<2x128xi32, #tpu.memory_space<vmem>> -> memref<1x128xi32, #tpu.memory_space<vmem>>
      %dma_start3A_430 = tpu.memref_squeeze %dma_start3A_429 : memref<1x128xi32, #tpu.memory_space<vmem>> -> memref<128xi32, #tpu.memory_space<vmem>>
      %dma_start3A_431 = tpu.memref_slice %arg2[%add3A_417] : memref<640000xi32, #tpu.memory_space<hbm>> -> memref<128xi32, #tpu.memory_space<hbm>>
      %dma_start3A_432 = arith.constant 0 : i32
      %dma_start3A_433 = tpu.memref_slice %arg7[%dma_start3A_427, %dma_start3A_432] : memref<2x128xi32, #tpu.memory_space<vmem>> -> memref<1x128xi32, #tpu.memory_space<vmem>>
      %dma_start3A_434 = tpu.memref_squeeze %dma_start3A_433 : memref<1x128xi32, #tpu.memory_space<vmem>> -> memref<128xi32, #tpu.memory_space<vmem>>
      %dma_start3A_435 = tpu.memref_slice %arg2[%add3A_417] : memref<640000xi32, #tpu.memory_space<hbm>> -> memref<128xi32, #tpu.memory_space<hbm>>
      tpu.enqueue_dma source(%dma_start3A_435 : memref<128xi32, #tpu.memory_space<hbm>>) target(%dma_start3A_434 : memref<128xi32, #tpu.memory_space<vmem>>) target_semaphore(%arg14 : memref<!tpu.dma_semaphore, #tpu.memory_space<semaphore_mem>>)
      %mul3A_436 = arith.constant 2 : i32
      %mul3A_437 = arith.muli %mul3A_436, %add3A_317 : i32
      %add3A_438 = arith.constant 1 : i32
      %add3A_439 = arith.addi %mul3A_437, %add3A_438 : i32
      %dma_wait3A_440 = arith.constant 1 : i32
      %dma_wait3A_441 = arith.constant 1 : i32
      %dma_wait3A_442 = arith.constant 0 : i32
      %dma_wait3A_443 = arith.constant 0 : i32
      %dma_wait3A_444 = tpu.memref_slice %arg9[%dma_wait3A_441, %dma_wait3A_442, %dma_wait3A_443] : memref<2x128x128xf32, #tpu.memory_space<vmem>> -> memref<1x128x128xf32, #tpu.memory_space<vmem>>
      %dma_wait3A_445 = tpu.memref_squeeze %dma_wait3A_444 : memref<1x128x128xf32, #tpu.memory_space<vmem>> -> memref<128x128xf32, #tpu.memory_space<vmem>>
      %dma_wait3A_446 = arith.constant 0 : i32
      %dma_wait3A_447 = tpu.memref_slice %arg6[%dma_wait3A_440, %dma_wait3A_446] : memref<2x128xi32, #tpu.memory_space<vmem>> -> memref<1x128xi32, #tpu.memory_space<vmem>>
      %dma_wait3A_448 = tpu.memref_squeeze %dma_wait3A_447 : memref<1x128xi32, #tpu.memory_space<vmem>> -> memref<128xi32, #tpu.memory_space<vmem>>
      %dma_wait3A_449 = arith.constant 0 : i32
      %dma_wait3A_450 = arith.constant 0 : i32
      %dma_wait3A_451 = tpu.memref_slice %arg3[%dma_wait3A_449, %dma_wait3A_450] : memref<10000x128xf32, #tpu.memory_space<hbm>> -> memref<10000x128xf32, #tpu.memory_space<hbm>>
      tpu.wait_indirect_dma semaphore(%arg13 : memref<!tpu.dma_semaphore, #tpu.memory_space<semaphore_mem>>) src(%dma_wait3A_451 : memref<10000x128xf32, #tpu.memory_space<hbm>>) dst(%dma_wait3A_445 : memref<128x128xf32, #tpu.memory_space<vmem>>)
      %add3A_452 = arith.constant 1 : i32
      %add3A_453 = arith.addi %add3A_439, %add3A_452 : i32
      %mul3A_454 = arith.constant 128 : i32
      %mul3A_455 = arith.muli %add3A_453, %mul3A_454 : i32
      %add3A_456 = arith.addi %mul3A_2, %mul3A_455 : i32
      %add3A_457 = arith.constant 320000 : i32
      %add3A_458 = arith.addi %add3A_457, %mul3A_2 : i32
      %mul3A_459 = arith.constant 128 : i32
      %mul3A_460 = arith.muli %add3A_453, %mul3A_459 : i32
      %add3A_461 = arith.addi %add3A_458, %mul3A_460 : i32
      %dma_wait3A_462 = arith.constant 0 : i32
      %dma_wait3A_463 = arith.constant 0 : i32
      %dma_wait3A_464 = tpu.memref_slice %arg6[%dma_wait3A_462, %dma_wait3A_463] : memref<2x128xi32, #tpu.memory_space<vmem>> -> memref<1x128xi32, #tpu.memory_space<vmem>>
      %dma_wait3A_465 = tpu.memref_squeeze %dma_wait3A_464 : memref<1x128xi32, #tpu.memory_space<vmem>> -> memref<128xi32, #tpu.memory_space<vmem>>
      %dma_wait3A_466 = tpu.memref_slice %arg2[%add3A_456] : memref<640000xi32, #tpu.memory_space<hbm>> -> memref<128xi32, #tpu.memory_space<hbm>>
      %dma_wait3A_467 = arith.constant 0 : i32
      %dma_wait3A_468 = tpu.memref_slice %arg6[%dma_wait3A_462, %dma_wait3A_467] : memref<2x128xi32, #tpu.memory_space<vmem>> -> memref<1x128xi32, #tpu.memory_space<vmem>>
      %dma_wait3A_469 = tpu.memref_squeeze %dma_wait3A_468 : memref<1x128xi32, #tpu.memory_space<vmem>> -> memref<128xi32, #tpu.memory_space<vmem>>
      %dma_wait3A_470 = tpu.memref_slice %arg2[%add3A_456] : memref<640000xi32, #tpu.memory_space<hbm>> -> memref<128xi32, #tpu.memory_space<hbm>>
      tpu.wait_dma2 semaphore(%arg14 : memref<!tpu.dma_semaphore, #tpu.memory_space<semaphore_mem>>) src(%dma_wait3A_470 : memref<128xi32, #tpu.memory_space<hbm>>) dst(%dma_wait3A_469 : memref<128xi32, #tpu.memory_space<vmem>>)
      %dma_wait3A_471 = arith.constant 0 : i32
      %dma_wait3A_472 = arith.constant 0 : i32
      %dma_wait3A_473 = tpu.memref_slice %arg7[%dma_wait3A_471, %dma_wait3A_472] : memref<2x128xi32, #tpu.memory_space<vmem>> -> memref<1x128xi32, #tpu.memory_space<vmem>>
      %dma_wait3A_474 = tpu.memref_squeeze %dma_wait3A_473 : memref<1x128xi32, #tpu.memory_space<vmem>> -> memref<128xi32, #tpu.memory_space<vmem>>
      %dma_wait3A_475 = tpu.memref_slice %arg2[%add3A_461] : memref<640000xi32, #tpu.memory_space<hbm>> -> memref<128xi32, #tpu.memory_space<hbm>>
      %dma_wait3A_476 = arith.constant 0 : i32
      %dma_wait3A_477 = tpu.memref_slice %arg7[%dma_wait3A_471, %dma_wait3A_476] : memref<2x128xi32, #tpu.memory_space<vmem>> -> memref<1x128xi32, #tpu.memory_space<vmem>>
      %dma_wait3A_478 = tpu.memref_squeeze %dma_wait3A_477 : memref<1x128xi32, #tpu.memory_space<vmem>> -> memref<128xi32, #tpu.memory_space<vmem>>
      %dma_wait3A_479 = tpu.memref_slice %arg2[%add3A_461] : memref<640000xi32, #tpu.memory_space<hbm>> -> memref<128xi32, #tpu.memory_space<hbm>>
      tpu.wait_dma2 semaphore(%arg14 : memref<!tpu.dma_semaphore, #tpu.memory_space<semaphore_mem>>) src(%dma_wait3A_479 : memref<128xi32, #tpu.memory_space<hbm>>) dst(%dma_wait3A_478 : memref<128xi32, #tpu.memory_space<vmem>>)
      %dma_start3A_480 = arith.constant 0 : i32
      %dma_start3A_481 = arith.constant 0 : i32
      %dma_start3A_482 = arith.constant 0 : i32
      %dma_start3A_483 = arith.constant 0 : i32
      %dma_start3A_484 = tpu.memref_slice %arg9[%dma_start3A_481, %dma_start3A_482, %dma_start3A_483] : memref<2x128x128xf32, #tpu.memory_space<vmem>> -> memref<1x128x128xf32, #tpu.memory_space<vmem>>
      %dma_start3A_485 = tpu.memref_squeeze %dma_start3A_484 : memref<1x128x128xf32, #tpu.memory_space<vmem>> -> memref<128x128xf32, #tpu.memory_space<vmem>>
      %dma_start3A_486 = arith.constant 0 : i32
      %dma_start3A_487 = tpu.memref_slice %arg6[%dma_start3A_480, %dma_start3A_486] : memref<2x128xi32, #tpu.memory_space<vmem>> -> memref<1x128xi32, #tpu.memory_space<vmem>>
      %dma_start3A_488 = tpu.memref_squeeze %dma_start3A_487 : memref<1x128xi32, #tpu.memory_space<vmem>> -> memref<128xi32, #tpu.memory_space<vmem>>
      %dma_start3A_489 = arith.constant 0 : i32
      %dma_start3A_490 = arith.constant 0 : i32
      %dma_start3A_491 = tpu.memref_slice %arg3[%dma_start3A_489, %dma_start3A_490] : memref<10000x128xf32, #tpu.memory_space<hbm>> -> memref<10000x128xf32, #tpu.memory_space<hbm>>
      tpu.enqueue_indirect_dma source(%dma_start3A_491 : memref<10000x128xf32, #tpu.memory_space<hbm>>) target(%dma_start3A_485 : memref<128x128xf32, #tpu.memory_space<vmem>>) offsets(%dma_start3A_488 : memref<128xi32, #tpu.memory_space<vmem>>) semaphore(%arg12 : memref<!tpu.dma_semaphore, #tpu.memory_space<semaphore_mem>>)
      %run_scoped3A_492 = arith.constant 1 : i32
      %run_scoped3A_493 = arith.constant 1 : i32
      "tpu.region"() ({
        %run_scoped3A_554 = tpu.sem_alloc : memref<!tpu.dma_semaphore, #tpu.memory_space<semaphore_mem>>
        %dma_start3A_555 = arith.constant 0 : i32
        %dma_start3A_556 = arith.constant 0 : i32
        %dma_start3A_557 = tpu.memref_slice %arg9[%run_scoped3A_492, %dma_start3A_555, %dma_start3A_556] : memref<2x128x128xf32, #tpu.memory_space<vmem>> -> memref<1x128x128xf32, #tpu.memory_space<vmem>>
        %dma_start3A_558 = tpu.memref_squeeze %dma_start3A_557 : memref<1x128x128xf32, #tpu.memory_space<vmem>> -> memref<128x128xf32, #tpu.memory_space<vmem>>
        %dma_start3A_559 = arith.constant 0 : i32
        %dma_start3A_560 = tpu.memref_slice %arg7[%run_scoped3A_493, %dma_start3A_559] : memref<2x128xi32, #tpu.memory_space<vmem>> -> memref<1x128xi32, #tpu.memory_space<vmem>>
        %dma_start3A_561 = tpu.memref_squeeze %dma_start3A_560 : memref<1x128xi32, #tpu.memory_space<vmem>> -> memref<128xi32, #tpu.memory_space<vmem>>
        %dma_start3A_562 = arith.constant 0 : i32
        %dma_start3A_563 = arith.constant 0 : i32
        %dma_start3A_564 = tpu.memref_slice %arg11[%dma_start3A_562, %dma_start3A_563] : memref<10000x128xf32, #tpu.memory_space<vmem_shared>> -> memref<10000x128xf32, #tpu.memory_space<vmem_shared>>
        tpu.enqueue_indirect_dma source(%dma_start3A_558 : memref<128x128xf32, #tpu.memory_space<vmem>>) target(%dma_start3A_564 : memref<10000x128xf32, #tpu.memory_space<vmem_shared>>) offsets(%dma_start3A_561 : memref<128xi32, #tpu.memory_space<vmem>>) semaphore(%run_scoped3A_554 : memref<!tpu.dma_semaphore, #tpu.memory_space<semaphore_mem>>) {add = true}
        %dma_wait3A_565 = arith.constant 0 : i32
        %dma_wait3A_566 = arith.constant 0 : i32
        %dma_wait3A_567 = tpu.memref_slice %arg9[%run_scoped3A_492, %dma_wait3A_565, %dma_wait3A_566] : memref<2x128x128xf32, #tpu.memory_space<vmem>> -> memref<1x128x128xf32, #tpu.memory_space<vmem>>
        %dma_wait3A_568 = tpu.memref_squeeze %dma_wait3A_567 : memref<1x128x128xf32, #tpu.memory_space<vmem>> -> memref<128x128xf32, #tpu.memory_space<vmem>>
        %dma_wait3A_569 = arith.constant 0 : i32
        %dma_wait3A_570 = tpu.memref_slice %arg7[%run_scoped3A_493, %dma_wait3A_569] : memref<2x128xi32, #tpu.memory_space<vmem>> -> memref<1x128xi32, #tpu.memory_space<vmem>>
        %dma_wait3A_571 = tpu.memref_squeeze %dma_wait3A_570 : memref<1x128xi32, #tpu.memory_space<vmem>> -> memref<128xi32, #tpu.memory_space<vmem>>
        %dma_wait3A_572 = arith.constant 0 : i32
        %dma_wait3A_573 = arith.constant 0 : i32
        %dma_wait3A_574 = tpu.memref_slice %arg11[%dma_wait3A_572, %dma_wait3A_573] : memref<10000x128xf32, #tpu.memory_space<vmem_shared>> -> memref<10000x128xf32, #tpu.memory_space<vmem_shared>>
        tpu.wait_indirect_dma semaphore(%run_scoped3A_554 : memref<!tpu.dma_semaphore, #tpu.memory_space<semaphore_mem>>) src(%dma_wait3A_568 : memref<128x128xf32, #tpu.memory_space<vmem>>) dst(%dma_wait3A_574 : memref<10000x128xf32, #tpu.memory_space<vmem_shared>>)
        tpu.yield
      }) : () -> ()
      %get3A_494 = arith.constant 1 : i32
      %get3A_495 = arith.index_cast %get3A_494 : i32 to index
      %get3A_496 = arith.constant 0 : index
      %get3A_497 = tpu.vector_load %arg7[%get3A_495, %get3A_496] {strides = array<i32>} : memref<2x128xi32, #tpu.memory_space<vmem>>, vector<16xi32>,
      tpu.vector_store_idx %arg10[%get3A_497], %broadcast_in_dim3A_40 {add = true} : memref<10000xf32, #tpu.memory_space<vmem>>[vector<16xi32>], vector<16xf32>,
      %get3A_498 = arith.constant 1 : i32
      %get3A_499 = arith.index_cast %get3A_498 : i32 to index
      %get3A_500 = arith.constant 16 : index
      %get3A_501 = tpu.vector_load %arg7[%get3A_499, %get3A_500] {strides = array<i32>} : memref<2x128xi32, #tpu.memory_space<vmem>>, vector<16xi32>,
      tpu.vector_store_idx %arg10[%get3A_501], %broadcast_in_dim3A_40 {add = true} : memref<10000xf32, #tpu.memory_space<vmem>>[vector<16xi32>], vector<16xf32>,
      %get3A_502 = arith.constant 1 : i32
      %get3A_503 = arith.index_cast %get3A_502 : i32 to index
      %get3A_504 = arith.constant 32 : index
      %get3A_505 = tpu.vector_load %arg7[%get3A_503, %get3A_504] {strides = array<i32>} : memref<2x128xi32, #tpu.memory_space<vmem>>, vector<16xi32>,
      tpu.vector_store_idx %arg10[%get3A_505], %broadcast_in_dim3A_40 {add = true} : memref<10000xf32, #tpu.memory_space<vmem>>[vector<16xi32>], vector<16xf32>,
      %get3A_506 = arith.constant 1 : i32
      %get3A_507 = arith.index_cast %get3A_506 : i32 to index
      %get3A_508 = arith.constant 48 : index
      %get3A_509 = tpu.vector_load %arg7[%get3A_507, %get3A_508] {strides = array<i32>} : memref<2x128xi32, #tpu.memory_space<vmem>>, vector<16xi32>,
      tpu.vector_store_idx %arg10[%get3A_509], %broadcast_in_dim3A_40 {add = true} : memref<10000xf32, #tpu.memory_space<vmem>>[vector<16xi32>], vector<16xf32>,
      %get3A_510 = arith.constant 1 : i32
      %get3A_511 = arith.index_cast %get3A_510 : i32 to index
      %get3A_512 = arith.constant 64 : index
      %get3A_513 = tpu.vector_load %arg7[%get3A_511, %get3A_512] {strides = array<i32>} : memref<2x128xi32, #tpu.memory_space<vmem>>, vector<16xi32>,
      tpu.vector_store_idx %arg10[%get3A_513], %broadcast_in_dim3A_40 {add = true} : memref<10000xf32, #tpu.memory_space<vmem>>[vector<16xi32>], vector<16xf32>,
      %get3A_514 = arith.constant 1 : i32
      %get3A_515 = arith.index_cast %get3A_514 : i32 to index
      %get3A_516 = arith.constant 80 : index
      %get3A_517 = tpu.vector_load %arg7[%get3A_515, %get3A_516] {strides = array<i32>} : memref<2x128xi32, #tpu.memory_space<vmem>>, vector<16xi32>,
      tpu.vector_store_idx %arg10[%get3A_517], %broadcast_in_dim3A_40 {add = true} : memref<10000xf32, #tpu.memory_space<vmem>>[vector<16xi32>], vector<16xf32>,
      %get3A_518 = arith.constant 1 : i32
      %get3A_519 = arith.index_cast %get3A_518 : i32 to index
      %get3A_520 = arith.constant 96 : index
      %get3A_521 = tpu.vector_load %arg7[%get3A_519, %get3A_520] {strides = array<i32>} : memref<2x128xi32, #tpu.memory_space<vmem>>, vector<16xi32>,
      tpu.vector_store_idx %arg10[%get3A_521], %broadcast_in_dim3A_40 {add = true} : memref<10000xf32, #tpu.memory_space<vmem>>[vector<16xi32>], vector<16xf32>,
      %get3A_522 = arith.constant 1 : i32
      %get3A_523 = arith.index_cast %get3A_522 : i32 to index
      %get3A_524 = arith.constant 112 : index
      %get3A_525 = tpu.vector_load %arg7[%get3A_523, %get3A_524] {strides = array<i32>} : memref<2x128xi32, #tpu.memory_space<vmem>>, vector<16xi32>,
      tpu.vector_store_idx %arg10[%get3A_525], %broadcast_in_dim3A_40 {add = true} : memref<10000xf32, #tpu.memory_space<vmem>>[vector<16xi32>], vector<16xf32>,
      %add3A_526 = arith.constant 2 : i32
      %add3A_527 = arith.addi %add3A_439, %add3A_526 : i32
      %mul3A_528 = arith.constant 128 : i32
      %mul3A_529 = arith.muli %add3A_527, %mul3A_528 : i32
      %add3A_530 = arith.addi %mul3A_2, %mul3A_529 : i32
      %add3A_531 = arith.constant 320000 : i32
      %add3A_532 = arith.addi %add3A_531, %mul3A_2 : i32
      %mul3A_533 = arith.constant 128 : i32
      %mul3A_534 = arith.muli %add3A_527, %mul3A_533 : i32
      %add3A_535 = arith.addi %add3A_532, %mul3A_534 : i32
      %dma_start3A_536 = arith.constant 1 : i32
      %dma_start3A_537 = arith.constant 0 : i32
      %dma_start3A_538 = tpu.memref_slice %arg6[%dma_start3A_536, %dma_start3A_537] : memref<2x128xi32, #tpu.memory_space<vmem>> -> memref<1x128xi32, #tpu.memory_space<vmem>>
      %dma_start3A_539 = tpu.memref_squeeze %dma_start3A_538 : memref<1x128xi32, #tpu.memory_space<vmem>> -> memref<128xi32, #tpu.memory_space<vmem>>
      %dma_start3A_540 = tpu.memref_slice %arg2[%add3A_530] : memref<640000xi32, #tpu.memory_space<hbm>> -> memref<128xi32, #tpu.memory_space<hbm>>
      %dma_start3A_541 = arith.constant 0 : i32
      %dma_start3A_542 = tpu.memref_slice %arg6[%dma_start3A_536, %dma_start3A_541] : memref<2x128xi32, #tpu.memory_space<vmem>> -> memref<1x128xi32, #tpu.memory_space<vmem>>
      %dma_start3A_543 = tpu.memref_squeeze %dma_start3A_542 : memref<1x128xi32, #tpu.memory_space<vmem>> -> memref<128xi32, #tpu.memory_space<vmem>>
      %dma_start3A_544 = tpu.memref_slice %arg2[%add3A_530] : memref<640000xi32, #tpu.memory_space<hbm>> -> memref<128xi32, #tpu.memory_space<hbm>>
      tpu.enqueue_dma source(%dma_start3A_544 : memref<128xi32, #tpu.memory_space<hbm>>) target(%dma_start3A_543 : memref<128xi32, #tpu.memory_space<vmem>>) target_semaphore(%arg15 : memref<!tpu.dma_semaphore, #tpu.memory_space<semaphore_mem>>)
      %dma_start3A_545 = arith.constant 1 : i32
      %dma_start3A_546 = arith.constant 0 : i32
      %dma_start3A_547 = tpu.memref_slice %arg7[%dma_start3A_545, %dma_start3A_546] : memref<2x128xi32, #tpu.memory_space<vmem>> -> memref<1x128xi32, #tpu.memory_space<vmem>>
      %dma_start3A_548 = tpu.memref_squeeze %dma_start3A_547 : memref<1x128xi32, #tpu.memory_space<vmem>> -> memref<128xi32, #tpu.memory_space<vmem>>
      %dma_start3A_549 = tpu.memref_slice %arg2[%add3A_535] : memref<640000xi32, #tpu.memory_space<hbm>> -> memref<128xi32, #tpu.memory_space<hbm>>
      %dma_start3A_550 = arith.constant 0 : i32
      %dma_start3A_551 = tpu.memref_slice %arg7[%dma_start3A_545, %dma_start3A_550] : memref<2x128xi32, #tpu.memory_space<vmem>> -> memref<1x128xi32, #tpu.memory_space<vmem>>
      %dma_start3A_552 = tpu.memref_squeeze %dma_start3A_551 : memref<1x128xi32, #tpu.memory_space<vmem>> -> memref<128xi32, #tpu.memory_space<vmem>>
      %dma_start3A_553 = tpu.memref_slice %arg2[%add3A_535] : memref<640000xi32, #tpu.memory_space<hbm>> -> memref<128xi32, #tpu.memory_space<hbm>>
      tpu.enqueue_dma source(%dma_start3A_553 : memref<128xi32, #tpu.memory_space<hbm>>) target(%dma_start3A_552 : memref<128xi32, #tpu.memory_space<vmem>>) target_semaphore(%arg15 : memref<!tpu.dma_semaphore, #tpu.memory_space<semaphore_mem>>)
    }
    %scan3A_127 = arith.constant 38 : i32
    %dma_wait3A_128 = arith.constant 0 : i32
    %dma_wait3A_129 = arith.constant 0 : i32
    %dma_wait3A_130 = arith.constant 0 : i32
    %dma_wait3A_131 = arith.constant 0 : i32
    %dma_wait3A_132 = tpu.memref_slice %arg9[%dma_wait3A_129, %dma_wait3A_130, %dma_wait3A_131] : memref<2x128x128xf32, #tpu.memory_space<vmem>> -> memref<1x128x128xf32, #tpu.memory_space<vmem>>
    %dma_wait3A_133 = tpu.memref_squeeze %dma_wait3A_132 : memref<1x128x128xf32, #tpu.memory_space<vmem>> -> memref<128x128xf32, #tpu.memory_space<vmem>>
    %dma_wait3A_134 = arith.constant 0 : i32
    %dma_wait3A_135 = tpu.memref_slice %arg6[%dma_wait3A_128, %dma_wait3A_134] : memref<2x128xi32, #tpu.memory_space<vmem>> -> memref<1x128xi32, #tpu.memory_space<vmem>>
    %dma_wait3A_136 = tpu.memref_squeeze %dma_wait3A_135 : memref<1x128xi32, #tpu.memory_space<vmem>> -> memref<128xi32, #tpu.memory_space<vmem>>
    %dma_wait3A_137 = arith.constant 0 : i32
    %dma_wait3A_138 = arith.constant 0 : i32
    %dma_wait3A_139 = tpu.memref_slice %arg3[%dma_wait3A_137, %dma_wait3A_138] : memref<10000x128xf32, #tpu.memory_space<hbm>> -> memref<10000x128xf32, #tpu.memory_space<hbm>>
    tpu.wait_indirect_dma semaphore(%arg12 : memref<!tpu.dma_semaphore, #tpu.memory_space<semaphore_mem>>) src(%dma_wait3A_139 : memref<10000x128xf32, #tpu.memory_space<hbm>>) dst(%dma_wait3A_133 : memref<128x128xf32, #tpu.memory_space<vmem>>)
    %add3A_140 = arith.constant 9856 : i32
    %add3A_141 = arith.addi %mul3A_2, %add3A_140 : i32
    %add3A_142 = arith.constant 320000 : i32
    %add3A_143 = arith.addi %add3A_142, %mul3A_2 : i32
    %add3A_144 = arith.constant 9856 : i32
    %add3A_145 = arith.addi %add3A_143, %add3A_144 : i32
    %dma_wait3A_146 = arith.constant 1 : i32
    %dma_wait3A_147 = arith.constant 0 : i32
    %dma_wait3A_148 = tpu.memref_slice %arg6[%dma_wait3A_146, %dma_wait3A_147] : memref<2x128xi32, #tpu.memory_space<vmem>> -> memref<1x128xi32, #tpu.memory_space<vmem>>
    %dma_wait3A_149 = tpu.memref_squeeze %dma_wait3A_148 : memref<1x128xi32, #tpu.memory_space<vmem>> -> memref<128xi32, #tpu.memory_space<vmem>>
    %dma_wait3A_150 = tpu.memref_slice %arg2[%add3A_141] : memref<640000xi32, #tpu.memory_space<hbm>> -> memref<128xi32, #tpu.memory_space<hbm>>
    %dma_wait3A_151 = arith.constant 0 : i32
    %dma_wait3A_152 = tpu.memref_slice %arg6[%dma_wait3A_146, %dma_wait3A_151] : memref<2x128xi32, #tpu.memory_space<vmem>> -> memref<1x128xi32, #tpu.memory_space<vmem>>
    %dma_wait3A_153 = tpu.memref_squeeze %dma_wait3A_152 : memref<1x128xi32, #tpu.memory_space<vmem>> -> memref<128xi32, #tpu.memory_space<vmem>>
    %dma_wait3A_154 = tpu.memref_slice %arg2[%add3A_141] : memref<640000xi32, #tpu.memory_space<hbm>> -> memref<128xi32, #tpu.memory_space<hbm>>
    tpu.wait_dma2 semaphore(%arg15 : memref<!tpu.dma_semaphore, #tpu.memory_space<semaphore_mem>>) src(%dma_wait3A_154 : memref<128xi32, #tpu.memory_space<hbm>>) dst(%dma_wait3A_153 : memref<128xi32, #tpu.memory_space<vmem>>)
    %dma_wait3A_155 = arith.constant 1 : i32
    %dma_wait3A_156 = arith.constant 0 : i32
    %dma_wait3A_157 = tpu.memref_slice %arg7[%dma_wait3A_155, %dma_wait3A_156] : memref<2x128xi32, #tpu.memory_space<vmem>> -> memref<1x128xi32, #tpu.memory_space<vmem>>
    %dma_wait3A_158 = tpu.memref_squeeze %dma_wait3A_157 : memref<1x128xi32, #tpu.memory_space<vmem>> -> memref<128xi32, #tpu.memory_space<vmem>>
    %dma_wait3A_159 = tpu.memref_slice %arg2[%add3A_145] : memref<640000xi32, #tpu.memory_space<hbm>> -> memref<128xi32, #tpu.memory_space<hbm>>
    %dma_wait3A_160 = arith.constant 0 : i32
    %dma_wait3A_161 = tpu.memref_slice %arg7[%dma_wait3A_155, %dma_wait3A_160] : memref<2x128xi32, #tpu.memory_space<vmem>> -> memref<1x128xi32, #tpu.memory_space<vmem>>
    %dma_wait3A_162 = tpu.memref_squeeze %dma_wait3A_161 : memref<1x128xi32, #tpu.memory_space<vmem>> -> memref<128xi32, #tpu.memory_space<vmem>>
    %dma_wait3A_163 = tpu.memref_slice %arg2[%add3A_145] : memref<640000xi32, #tpu.memory_space<hbm>> -> memref<128xi32, #tpu.memory_space<hbm>>
    tpu.wait_dma2 semaphore(%arg15 : memref<!tpu.dma_semaphore, #tpu.memory_space<semaphore_mem>>) src(%dma_wait3A_163 : memref<128xi32, #tpu.memory_space<hbm>>) dst(%dma_wait3A_162 : memref<128xi32, #tpu.memory_space<vmem>>)
    %dma_start3A_164 = arith.constant 1 : i32
    %dma_start3A_165 = arith.constant 1 : i32
    %dma_start3A_166 = arith.constant 0 : i32
    %dma_start3A_167 = arith.constant 0 : i32
    %dma_start3A_168 = tpu.memref_slice %arg9[%dma_start3A_165, %dma_start3A_166, %dma_start3A_167] : memref<2x128x128xf32, #tpu.memory_space<vmem>> -> memref<1x128x128xf32, #tpu.memory_space<vmem>>
    %dma_start3A_169 = tpu.memref_squeeze %dma_start3A_168 : memref<1x128x128xf32, #tpu.memory_space<vmem>> -> memref<128x128xf32, #tpu.memory_space<vmem>>
    %dma_start3A_170 = arith.constant 0 : i32
    %dma_start3A_171 = tpu.memref_slice %arg6[%dma_start3A_164, %dma_start3A_170] : memref<2x128xi32, #tpu.memory_space<vmem>> -> memref<1x128xi32, #tpu.memory_space<vmem>>
    %dma_start3A_172 = tpu.memref_squeeze %dma_start3A_171 : memref<1x128xi32, #tpu.memory_space<vmem>> -> memref<128xi32, #tpu.memory_space<vmem>>
    %dma_start3A_173 = arith.constant 0 : i32
    %dma_start3A_174 = arith.constant 0 : i32
    %dma_start3A_175 = tpu.memref_slice %arg3[%dma_start3A_173, %dma_start3A_174] : memref<10000x128xf32, #tpu.memory_space<hbm>> -> memref<10000x128xf32, #tpu.memory_space<hbm>>
    tpu.enqueue_indirect_dma source(%dma_start3A_175 : memref<10000x128xf32, #tpu.memory_space<hbm>>) target(%dma_start3A_169 : memref<128x128xf32, #tpu.memory_space<vmem>>) offsets(%dma_start3A_172 : memref<128xi32, #tpu.memory_space<vmem>>) semaphore(%arg13 : memref<!tpu.dma_semaphore, #tpu.memory_space<semaphore_mem>>)
    %run_scoped3A_176 = arith.constant 0 : i32
    %run_scoped3A_177 = arith.constant 0 : i32
    "tpu.region"() ({
      %run_scoped3A_313 = tpu.sem_alloc : memref<!tpu.dma_semaphore, #tpu.memory_space<semaphore_mem>>
      %dma_start3A_314 = arith.constant 0 : i32
      %dma_start3A_315 = arith.constant 0 : i32
      %dma_start3A_316 = tpu.memref_slice %arg9[%run_scoped3A_176, %dma_start3A_314, %dma_start3A_315] : memref<2x128x128xf32, #tpu.memory_space<vmem>> -> memref<1x128x128xf32, #tpu.memory_space<vmem>>
      %dma_start3A_317 = tpu.memref_squeeze %dma_start3A_316 : memref<1x128x128xf32, #tpu.memory_space<vmem>> -> memref<128x128xf32, #tpu.memory_space<vmem>>
      %dma_start3A_318 = arith.constant 0 : i32
      %dma_start3A_319 = tpu.memref_slice %arg7[%run_scoped3A_177, %dma_start3A_318] : memref<2x128xi32, #tpu.memory_space<vmem>> -> memref<1x128xi32, #tpu.memory_space<vmem>>
      %dma_start3A_320 = tpu.memref_squeeze %dma_start3A_319 : memref<1x128xi32, #tpu.memory_space<vmem>> -> memref<128xi32, #tpu.memory_space<vmem>>
      %dma_start3A_321 = arith.constant 0 : i32
      %dma_start3A_322 = arith.constant 0 : i32
      %dma_start3A_323 = tpu.memref_slice %arg11[%dma_start3A_321, %dma_start3A_322] : memref<10000x128xf32, #tpu.memory_space<vmem_shared>> -> memref<10000x128xf32, #tpu.memory_space<vmem_shared>>
      tpu.enqueue_indirect_dma source(%dma_start3A_317 : memref<128x128xf32, #tpu.memory_space<vmem>>) target(%dma_start3A_323 : memref<10000x128xf32, #tpu.memory_space<vmem_shared>>) offsets(%dma_start3A_320 : memref<128xi32, #tpu.memory_space<vmem>>) semaphore(%run_scoped3A_313 : memref<!tpu.dma_semaphore, #tpu.memory_space<semaphore_mem>>) {add = true}
      %dma_wait3A_324 = arith.constant 0 : i32
      %dma_wait3A_325 = arith.constant 0 : i32
      %dma_wait3A_326 = tpu.memref_slice %arg9[%run_scoped3A_176, %dma_wait3A_324, %dma_wait3A_325] : memref<2x128x128xf32, #tpu.memory_space<vmem>> -> memref<1x128x128xf32, #tpu.memory_space<vmem>>
      %dma_wait3A_327 = tpu.memref_squeeze %dma_wait3A_326 : memref<1x128x128xf32, #tpu.memory_space<vmem>> -> memref<128x128xf32, #tpu.memory_space<vmem>>
      %dma_wait3A_328 = arith.constant 0 : i32
      %dma_wait3A_329 = tpu.memref_slice %arg7[%run_scoped3A_177, %dma_wait3A_328] : memref<2x128xi32, #tpu.memory_space<vmem>> -> memref<1x128xi32, #tpu.memory_space<vmem>>
      %dma_wait3A_330 = tpu.memref_squeeze %dma_wait3A_329 : memref<1x128xi32, #tpu.memory_space<vmem>> -> memref<128xi32, #tpu.memory_space<vmem>>
      %dma_wait3A_331 = arith.constant 0 : i32
      %dma_wait3A_332 = arith.constant 0 : i32
      %dma_wait3A_333 = tpu.memref_slice %arg11[%dma_wait3A_331, %dma_wait3A_332] : memref<10000x128xf32, #tpu.memory_space<vmem_shared>> -> memref<10000x128xf32, #tpu.memory_space<vmem_shared>>
      tpu.wait_indirect_dma semaphore(%run_scoped3A_313 : memref<!tpu.dma_semaphore, #tpu.memory_space<semaphore_mem>>) src(%dma_wait3A_327 : memref<128x128xf32, #tpu.memory_space<vmem>>) dst(%dma_wait3A_333 : memref<10000x128xf32, #tpu.memory_space<vmem_shared>>)
      tpu.yield
    }) : () -> ()
    %get3A = arith.constant 0 : i32
    %get3A_178 = arith.index_cast %get3A : i32 to index
    %get3A_179 = arith.constant 0 : index
    %get3A_180 = tpu.vector_load %arg7[%get3A_178, %get3A_179] {strides = array<i32>} : memref<2x128xi32, #tpu.memory_space<vmem>>, vector<16xi32>,
    tpu.vector_store_idx %arg10[%get3A_180], %broadcast_in_dim3A_40 {add = true} : memref<10000xf32, #tpu.memory_space<vmem>>[vector<16xi32>], vector<16xf32>,
    %get3A_181 = arith.constant 0 : i32
    %get3A_182 = arith.index_cast %get3A_181 : i32 to index
    %get3A_183 = arith.constant 16 : index
    %get3A_184 = tpu.vector_load %arg7[%get3A_182, %get3A_183] {strides = array<i32>} : memref<2x128xi32, #tpu.memory_space<vmem>>, vector<16xi32>,
    tpu.vector_store_idx %arg10[%get3A_184], %broadcast_in_dim3A_40 {add = true} : memref<10000xf32, #tpu.memory_space<vmem>>[vector<16xi32>], vector<16xf32>,
    %get3A_185 = arith.constant 0 : i32
    %get3A_186 = arith.index_cast %get3A_185 : i32 to index
    %get3A_187 = arith.constant 32 : index
    %get3A_188 = tpu.vector_load %arg7[%get3A_186, %get3A_187] {strides = array<i32>} : memref<2x128xi32, #tpu.memory_space<vmem>>, vector<16xi32>,
    tpu.vector_store_idx %arg10[%get3A_188], %broadcast_in_dim3A_40 {add = true} : memref<10000xf32, #tpu.memory_space<vmem>>[vector<16xi32>], vector<16xf32>,
    %get3A_189 = arith.constant 0 : i32
    %get3A_190 = arith.index_cast %get3A_189 : i32 to index
    %get3A_191 = arith.constant 48 : index
    %get3A_192 = tpu.vector_load %arg7[%get3A_190, %get3A_191] {strides = array<i32>} : memref<2x128xi32, #tpu.memory_space<vmem>>, vector<16xi32>,
    tpu.vector_store_idx %arg10[%get3A_192], %broadcast_in_dim3A_40 {add = true} : memref<10000xf32, #tpu.memory_space<vmem>>[vector<16xi32>], vector<16xf32>,
    %get3A_193 = arith.constant 0 : i32
    %get3A_194 = arith.index_cast %get3A_193 : i32 to index
    %get3A_195 = arith.constant 64 : index
    %get3A_196 = tpu.vector_load %arg7[%get3A_194, %get3A_195] {strides = array<i32>} : memref<2x128xi32, #tpu.memory_space<vmem>>, vector<16xi32>,
    tpu.vector_store_idx %arg10[%get3A_196], %broadcast_in_dim3A_40 {add = true} : memref<10000xf32, #tpu.memory_space<vmem>>[vector<16xi32>], vector<16xf32>,
    %get3A_197 = arith.constant 0 : i32
    %get3A_198 = arith.index_cast %get3A_197 : i32 to index
    %get3A_199 = arith.constant 80 : index
    %get3A_200 = tpu.vector_load %arg7[%get3A_198, %get3A_199] {strides = array<i32>} : memref<2x128xi32, #tpu.memory_space<vmem>>, vector<16xi32>,
    tpu.vector_store_idx %arg10[%get3A_200], %broadcast_in_dim3A_40 {add = true} : memref<10000xf32, #tpu.memory_space<vmem>>[vector<16xi32>], vector<16xf32>,
    %get3A_201 = arith.constant 0 : i32
    %get3A_202 = arith.index_cast %get3A_201 : i32 to index
    %get3A_203 = arith.constant 96 : index
    %get3A_204 = tpu.vector_load %arg7[%get3A_202, %get3A_203] {strides = array<i32>} : memref<2x128xi32, #tpu.memory_space<vmem>>, vector<16xi32>,
    tpu.vector_store_idx %arg10[%get3A_204], %broadcast_in_dim3A_40 {add = true} : memref<10000xf32, #tpu.memory_space<vmem>>[vector<16xi32>], vector<16xf32>,
    %get3A_205 = arith.constant 0 : i32
    %get3A_206 = arith.index_cast %get3A_205 : i32 to index
    %get3A_207 = arith.constant 112 : index
    %get3A_208 = tpu.vector_load %arg7[%get3A_206, %get3A_207] {strides = array<i32>} : memref<2x128xi32, #tpu.memory_space<vmem>>, vector<16xi32>,
    tpu.vector_store_idx %arg10[%get3A_208], %broadcast_in_dim3A_40 {add = true} : memref<10000xf32, #tpu.memory_space<vmem>>[vector<16xi32>], vector<16xf32>,
    %dma_wait3A_209 = arith.constant 1 : i32
    %dma_wait3A_210 = arith.constant 1 : i32
    %dma_wait3A_211 = arith.constant 0 : i32
    %dma_wait3A_212 = arith.constant 0 : i32
    %dma_wait3A_213 = tpu.memref_slice %arg9[%dma_wait3A_210, %dma_wait3A_211, %dma_wait3A_212] : memref<2x128x128xf32, #tpu.memory_space<vmem>> -> memref<1x128x128xf32, #tpu.memory_space<vmem>>
    %dma_wait3A_214 = tpu.memref_squeeze %dma_wait3A_213 : memref<1x128x128xf32, #tpu.memory_space<vmem>> -> memref<128x128xf32, #tpu.memory_space<vmem>>
    %dma_wait3A_215 = arith.constant 0 : i32
    %dma_wait3A_216 = tpu.memref_slice %arg6[%dma_wait3A_209, %dma_wait3A_215] : memref<2x128xi32, #tpu.memory_space<vmem>> -> memref<1x128xi32, #tpu.memory_space<vmem>>
    %dma_wait3A_217 = tpu.memref_squeeze %dma_wait3A_216 : memref<1x128xi32, #tpu.memory_space<vmem>> -> memref<128xi32, #tpu.memory_space<vmem>>
    %dma_wait3A_218 = arith.constant 0 : i32
    %dma_wait3A_219 = arith.constant 0 : i32
    %dma_wait3A_220 = tpu.memref_slice %arg3[%dma_wait3A_218, %dma_wait3A_219] : memref<10000x128xf32, #tpu.memory_space<hbm>> -> memref<10000x128xf32, #tpu.memory_space<hbm>>
    tpu.wait_indirect_dma semaphore(%arg13 : memref<!tpu.dma_semaphore, #tpu.memory_space<semaphore_mem>>) src(%dma_wait3A_220 : memref<10000x128xf32, #tpu.memory_space<hbm>>) dst(%dma_wait3A_214 : memref<128x128xf32, #tpu.memory_space<vmem>>)
    %run_scoped3A_221 = arith.constant 1 : i32
    %run_scoped3A_222 = arith.constant 1 : i32
    "tpu.region"() ({
      %run_scoped3A_313 = tpu.sem_alloc : memref<!tpu.dma_semaphore, #tpu.memory_space<semaphore_mem>>
      %dma_start3A_314 = arith.constant 0 : i32
      %dma_start3A_315 = arith.constant 0 : i32
      %dma_start3A_316 = tpu.memref_slice %arg9[%run_scoped3A_221, %dma_start3A_314, %dma_start3A_315] : memref<2x128x128xf32, #tpu.memory_space<vmem>> -> memref<1x128x128xf32, #tpu.memory_space<vmem>>
      %dma_start3A_317 = tpu.memref_squeeze %dma_start3A_316 : memref<1x128x128xf32, #tpu.memory_space<vmem>> -> memref<128x128xf32, #tpu.memory_space<vmem>>
      %dma_start3A_318 = arith.constant 0 : i32
      %dma_start3A_319 = tpu.memref_slice %arg7[%run_scoped3A_222, %dma_start3A_318] : memref<2x128xi32, #tpu.memory_space<vmem>> -> memref<1x128xi32, #tpu.memory_space<vmem>>
      %dma_start3A_320 = tpu.memref_squeeze %dma_start3A_319 : memref<1x128xi32, #tpu.memory_space<vmem>> -> memref<128xi32, #tpu.memory_space<vmem>>
      %dma_start3A_321 = arith.constant 0 : i32
      %dma_start3A_322 = arith.constant 0 : i32
      %dma_start3A_323 = tpu.memref_slice %arg11[%dma_start3A_321, %dma_start3A_322] : memref<10000x128xf32, #tpu.memory_space<vmem_shared>> -> memref<10000x128xf32, #tpu.memory_space<vmem_shared>>
      tpu.enqueue_indirect_dma source(%dma_start3A_317 : memref<128x128xf32, #tpu.memory_space<vmem>>) target(%dma_start3A_323 : memref<10000x128xf32, #tpu.memory_space<vmem_shared>>) offsets(%dma_start3A_320 : memref<128xi32, #tpu.memory_space<vmem>>) semaphore(%run_scoped3A_313 : memref<!tpu.dma_semaphore, #tpu.memory_space<semaphore_mem>>) {add = true}
      %dma_wait3A_324 = arith.constant 0 : i32
      %dma_wait3A_325 = arith.constant 0 : i32
      %dma_wait3A_326 = tpu.memref_slice %arg9[%run_scoped3A_221, %dma_wait3A_324, %dma_wait3A_325] : memref<2x128x128xf32, #tpu.memory_space<vmem>> -> memref<1x128x128xf32, #tpu.memory_space<vmem>>
      %dma_wait3A_327 = tpu.memref_squeeze %dma_wait3A_326 : memref<1x128x128xf32, #tpu.memory_space<vmem>> -> memref<128x128xf32, #tpu.memory_space<vmem>>
      %dma_wait3A_328 = arith.constant 0 : i32
      %dma_wait3A_329 = tpu.memref_slice %arg7[%run_scoped3A_222, %dma_wait3A_328] : memref<2x128xi32, #tpu.memory_space<vmem>> -> memref<1x128xi32, #tpu.memory_space<vmem>>
      %dma_wait3A_330 = tpu.memref_squeeze %dma_wait3A_329 : memref<1x128xi32, #tpu.memory_space<vmem>> -> memref<128xi32, #tpu.memory_space<vmem>>
      %dma_wait3A_331 = arith.constant 0 : i32
      %dma_wait3A_332 = arith.constant 0 : i32
      %dma_wait3A_333 = tpu.memref_slice %arg11[%dma_wait3A_331, %dma_wait3A_332] : memref<10000x128xf32, #tpu.memory_space<vmem_shared>> -> memref<10000x128xf32, #tpu.memory_space<vmem_shared>>
      tpu.wait_indirect_dma semaphore(%run_scoped3A_313 : memref<!tpu.dma_semaphore, #tpu.memory_space<semaphore_mem>>) src(%dma_wait3A_327 : memref<128x128xf32, #tpu.memory_space<vmem>>) dst(%dma_wait3A_333 : memref<10000x128xf32, #tpu.memory_space<vmem_shared>>)
      tpu.yield
    }) : () -> ()
    %get3A_223 = arith.constant 1 : i32
    %get3A_224 = arith.index_cast %get3A_223 : i32 to index
    %get3A_225 = arith.constant 0 : index
    %get3A_226 = tpu.vector_load %arg7[%get3A_224, %get3A_225] {strides = array<i32>} : memref<2x128xi32, #tpu.memory_space<vmem>>, vector<16xi32>,
    tpu.vector_store_idx %arg10[%get3A_226], %broadcast_in_dim3A_40 {add = true} : memref<10000xf32, #tpu.memory_space<vmem>>[vector<16xi32>], vector<16xf32>,
    %get3A_227 = arith.constant 1 : i32
    %get3A_228 = arith.index_cast %get3A_227 : i32 to index
    %get3A_229 = arith.constant 16 : index
    %get3A_230 = tpu.vector_load %arg7[%get3A_228, %get3A_229] {strides = array<i32>} : memref<2x128xi32, #tpu.memory_space<vmem>>, vector<16xi32>,
    tpu.vector_store_idx %arg10[%get3A_230], %broadcast_in_dim3A_40 {add = true} : memref<10000xf32, #tpu.memory_space<vmem>>[vector<16xi32>], vector<16xf32>,
    %get3A_231 = arith.constant 1 : i32
    %get3A_232 = arith.index_cast %get3A_231 : i32 to index
    %get3A_233 = arith.constant 32 : index
    %get3A_234 = tpu.vector_load %arg7[%get3A_232, %get3A_233] {strides = array<i32>} : memref<2x128xi32, #tpu.memory_space<vmem>>, vector<16xi32>,
    tpu.vector_store_idx %arg10[%get3A_234], %broadcast_in_dim3A_40 {add = true} : memref<10000xf32, #tpu.memory_space<vmem>>[vector<16xi32>], vector<16xf32>,
    %get3A_235 = arith.constant 1 : i32
    %get3A_236 = arith.index_cast %get3A_235 : i32 to index
    %get3A_237 = arith.constant 48 : index
    %get3A_238 = tpu.vector_load %arg7[%get3A_236, %get3A_237] {strides = array<i32>} : memref<2x128xi32, #tpu.memory_space<vmem>>, vector<16xi32>,
    tpu.vector_store_idx %arg10[%get3A_238], %broadcast_in_dim3A_40 {add = true} : memref<10000xf32, #tpu.memory_space<vmem>>[vector<16xi32>], vector<16xf32>,
    %get3A_239 = arith.constant 1 : i32
    %get3A_240 = arith.index_cast %get3A_239 : i32 to index
    %get3A_241 = arith.constant 64 : index
    %get3A_242 = tpu.vector_load %arg7[%get3A_240, %get3A_241] {strides = array<i32>} : memref<2x128xi32, #tpu.memory_space<vmem>>, vector<16xi32>,
    tpu.vector_store_idx %arg10[%get3A_242], %broadcast_in_dim3A_40 {add = true} : memref<10000xf32, #tpu.memory_space<vmem>>[vector<16xi32>], vector<16xf32>,
    %get3A_243 = arith.constant 1 : i32
    %get3A_244 = arith.index_cast %get3A_243 : i32 to index
    %get3A_245 = arith.constant 80 : index
    %get3A_246 = tpu.vector_load %arg7[%get3A_244, %get3A_245] {strides = array<i32>} : memref<2x128xi32, #tpu.memory_space<vmem>>, vector<16xi32>,
    tpu.vector_store_idx %arg10[%get3A_246], %broadcast_in_dim3A_40 {add = true} : memref<10000xf32, #tpu.memory_space<vmem>>[vector<16xi32>], vector<16xf32>,
    %get3A_247 = arith.constant 1 : i32
    %get3A_248 = arith.index_cast %get3A_247 : i32 to index
    %get3A_249 = arith.constant 96 : index
    %get3A_250 = tpu.vector_load %arg7[%get3A_248, %get3A_249] {strides = array<i32>} : memref<2x128xi32, #tpu.memory_space<vmem>>, vector<16xi32>,
    tpu.vector_store_idx %arg10[%get3A_250], %broadcast_in_dim3A_40 {add = true} : memref<10000xf32, #tpu.memory_space<vmem>>[vector<16xi32>], vector<16xf32>,
    %get3A_251 = arith.constant 1 : i32
    %get3A_252 = arith.index_cast %get3A_251 : i32 to index
    %get3A_253 = arith.constant 112 : index
    %get3A_254 = tpu.vector_load %arg7[%get3A_252, %get3A_253] {strides = array<i32>} : memref<2x128xi32, #tpu.memory_space<vmem>>, vector<16xi32>,
    tpu.vector_store_idx %arg10[%get3A_254], %broadcast_in_dim3A_40 {add = true} : memref<10000xf32, #tpu.memory_space<vmem>>[vector<16xi32>], vector<16xf32>,
    %add3A_255 = arith.constant 9984 : i32
    %add3A_256 = arith.addi %mul3A_2, %add3A_255 : i32
    %run_scoped3A_257 = arith.constant 0 : i32
    "tpu.region"() ({
      %run_scoped3A_313 = tpu.sem_alloc : memref<!tpu.dma_semaphore, #tpu.memory_space<semaphore_mem>>
      %dma_start3A_314 = arith.constant 0 : i32
      %dma_start3A_315 = tpu.memref_slice %arg6[%run_scoped3A_257, %dma_start3A_314] : memref<2x128xi32, #tpu.memory_space<vmem>> -> memref<1x128xi32, #tpu.memory_space<vmem>>
      %dma_start3A_316 = tpu.memref_squeeze %dma_start3A_315 : memref<1x128xi32, #tpu.memory_space<vmem>> -> memref<128xi32, #tpu.memory_space<vmem>>
      %dma_start3A_317 = arith.constant 0 : i32
      %dma_start3A_318 = tpu.memref_slice %dma_start3A_316[%dma_start3A_317] : memref<128xi32, #tpu.memory_space<vmem>> -> memref<16xi32, #tpu.memory_space<vmem>>
      %dma_start3A_319 = tpu.memref_slice %arg2[%add3A_256] : memref<640000xi32, #tpu.memory_space<hbm>> -> memref<16xi32, #tpu.memory_space<hbm>>
      %dma_start3A_320 = arith.constant 0 : i32
      %dma_start3A_321 = tpu.memref_slice %arg6[%run_scoped3A_257, %dma_start3A_320] : memref<2x128xi32, #tpu.memory_space<vmem>> -> memref<1x128xi32, #tpu.memory_space<vmem>>
      %dma_start3A_322 = tpu.memref_squeeze %dma_start3A_321 : memref<1x128xi32, #tpu.memory_space<vmem>> -> memref<128xi32, #tpu.memory_space<vmem>>
      %dma_start3A_323 = arith.constant 0 : i32
      %dma_start3A_324 = tpu.memref_slice %dma_start3A_322[%dma_start3A_323] : memref<128xi32, #tpu.memory_space<vmem>> -> memref<16xi32, #tpu.memory_space<vmem>>
      %dma_start3A_325 = tpu.memref_slice %arg2[%add3A_256] : memref<640000xi32, #tpu.memory_space<hbm>> -> memref<16xi32, #tpu.memory_space<hbm>>
      tpu.enqueue_dma source(%dma_start3A_325 : memref<16xi32, #tpu.memory_space<hbm>>) target(%dma_start3A_324 : memref<16xi32, #tpu.memory_space<vmem>>) target_semaphore(%run_scoped3A_313 : memref<!tpu.dma_semaphore, #tpu.memory_space<semaphore_mem>>)
      %dma_wait3A_326 = arith.constant 0 : i32
      %dma_wait3A_327 = tpu.memref_slice %arg6[%run_scoped3A_257, %dma_wait3A_326] : memref<2x128xi32, #tpu.memory_space<vmem>> -> memref<1x128xi32, #tpu.memory_space<vmem>>
      %dma_wait3A_328 = tpu.memref_squeeze %dma_wait3A_327 : memref<1x128xi32, #tpu.memory_space<vmem>> -> memref<128xi32, #tpu.memory_space<vmem>>
      %dma_wait3A_329 = arith.constant 0 : i32
      %dma_wait3A_330 = tpu.memref_slice %dma_wait3A_328[%dma_wait3A_329] : memref<128xi32, #tpu.memory_space<vmem>> -> memref<16xi32, #tpu.memory_space<vmem>>
      %dma_wait3A_331 = tpu.memref_slice %arg2[%add3A_256] : memref<640000xi32, #tpu.memory_space<hbm>> -> memref<16xi32, #tpu.memory_space<hbm>>
      %dma_wait3A_332 = arith.constant 0 : i32
      %dma_wait3A_333 = tpu.memref_slice %arg6[%run_scoped3A_257, %dma_wait3A_332] : memref<2x128xi32, #tpu.memory_space<vmem>> -> memref<1x128xi32, #tpu.memory_space<vmem>>
      %dma_wait3A_334 = tpu.memref_squeeze %dma_wait3A_333 : memref<1x128xi32, #tpu.memory_space<vmem>> -> memref<128xi32, #tpu.memory_space<vmem>>
      %dma_wait3A_335 = arith.constant 0 : i32
      %dma_wait3A_336 = tpu.memref_slice %dma_wait3A_334[%dma_wait3A_335] : memref<128xi32, #tpu.memory_space<vmem>> -> memref<16xi32, #tpu.memory_space<vmem>>
      %dma_wait3A_337 = tpu.memref_slice %arg2[%add3A_256] : memref<640000xi32, #tpu.memory_space<hbm>> -> memref<16xi32, #tpu.memory_space<hbm>>
      tpu.wait_dma2 semaphore(%run_scoped3A_313 : memref<!tpu.dma_semaphore, #tpu.memory_space<semaphore_mem>>) src(%dma_wait3A_337 : memref<16xi32, #tpu.memory_space<hbm>>) dst(%dma_wait3A_336 : memref<16xi32, #tpu.memory_space<vmem>>)
      tpu.yield
    }) : () -> ()
    %add3A_258 = arith.constant 320000 : i32
    %add3A_259 = arith.addi %add3A_258, %mul3A_2 : i32
    %add3A_260 = arith.constant 9984 : i32
    %add3A_261 = arith.addi %add3A_259, %add3A_260 : i32
    %run_scoped3A_262 = arith.constant 0 : i32
    "tpu.region"() ({
      %run_scoped3A_313 = tpu.sem_alloc : memref<!tpu.dma_semaphore, #tpu.memory_space<semaphore_mem>>
      %dma_start3A_314 = arith.constant 0 : i32
      %dma_start3A_315 = tpu.memref_slice %arg8[%run_scoped3A_262, %dma_start3A_314] : memref<1x16xi32, #tpu.memory_space<vmem>> -> memref<1x16xi32, #tpu.memory_space<vmem>>
      %dma_start3A_316 = tpu.memref_squeeze %dma_start3A_315 : memref<1x16xi32, #tpu.memory_space<vmem>> -> memref<16xi32, #tpu.memory_space<vmem>>
      %dma_start3A_317 = tpu.memref_slice %arg2[%add3A_261] : memref<640000xi32, #tpu.memory_space<hbm>> -> memref<16xi32, #tpu.memory_space<hbm>>
      %dma_start3A_318 = arith.constant 0 : i32
      %dma_start3A_319 = tpu.memref_slice %arg8[%run_scoped3A_262, %dma_start3A_318] : memref<1x16xi32, #tpu.memory_space<vmem>> -> memref<1x16xi32, #tpu.memory_space<vmem>>
      %dma_start3A_320 = tpu.memref_squeeze %dma_start3A_319 : memref<1x16xi32, #tpu.memory_space<vmem>> -> memref<16xi32, #tpu.memory_space<vmem>>
      %dma_start3A_321 = tpu.memref_slice %arg2[%add3A_261] : memref<640000xi32, #tpu.memory_space<hbm>> -> memref<16xi32, #tpu.memory_space<hbm>>
      tpu.enqueue_dma source(%dma_start3A_321 : memref<16xi32, #tpu.memory_space<hbm>>) target(%dma_start3A_320 : memref<16xi32, #tpu.memory_space<vmem>>) target_semaphore(%run_scoped3A_313 : memref<!tpu.dma_semaphore, #tpu.memory_space<semaphore_mem>>)
      %dma_wait3A_322 = arith.constant 0 : i32
      %dma_wait3A_323 = tpu.memref_slice %arg8[%run_scoped3A_262, %dma_wait3A_322] : memref<1x16xi32, #tpu.memory_space<vmem>> -> memref<1x16xi32, #tpu.memory_space<vmem>>
      %dma_wait3A_324 = tpu.memref_squeeze %dma_wait3A_323 : memref<1x16xi32, #tpu.memory_space<vmem>> -> memref<16xi32, #tpu.memory_space<vmem>>
      %dma_wait3A_325 = tpu.memref_slice %arg2[%add3A_261] : memref<640000xi32, #tpu.memory_space<hbm>> -> memref<16xi32, #tpu.memory_space<hbm>>
      %dma_wait3A_326 = arith.constant 0 : i32
      %dma_wait3A_327 = tpu.memref_slice %arg8[%run_scoped3A_262, %dma_wait3A_326] : memref<1x16xi32, #tpu.memory_space<vmem>> -> memref<1x16xi32, #tpu.memory_space<vmem>>
      %dma_wait3A_328 = tpu.memref_squeeze %dma_wait3A_327 : memref<1x16xi32, #tpu.memory_space<vmem>> -> memref<16xi32, #tpu.memory_space<vmem>>
      %dma_wait3A_329 = tpu.memref_slice %arg2[%add3A_261] : memref<640000xi32, #tpu.memory_space<hbm>> -> memref<16xi32, #tpu.memory_space<hbm>>
      tpu.wait_dma2 semaphore(%run_scoped3A_313 : memref<!tpu.dma_semaphore, #tpu.memory_space<semaphore_mem>>) src(%dma_wait3A_329 : memref<16xi32, #tpu.memory_space<hbm>>) dst(%dma_wait3A_328 : memref<16xi32, #tpu.memory_space<vmem>>)
      tpu.yield
    }) : () -> ()
    %dma_start3A_263 = arith.constant 0 : i32
    %dma_start3A_264 = arith.constant 0 : i32
    %dma_start3A_265 = arith.constant 0 : i32
    %dma_start3A_266 = arith.constant 0 : i32
    %dma_start3A_267 = tpu.memref_slice %arg9[%dma_start3A_264, %dma_start3A_265, %dma_start3A_266] : memref<2x128x128xf32, #tpu.memory_space<vmem>> -> memref<1x128x128xf32, #tpu.memory_space<vmem>>
    %dma_start3A_268 = tpu.memref_squeeze %dma_start3A_267 : memref<1x128x128xf32, #tpu.memory_space<vmem>> -> memref<128x128xf32, #tpu.memory_space<vmem>>
    %dma_start3A_269 = arith.constant 0 : i32
    %dma_start3A_270 = arith.constant 0 : i32
    %dma_start3A_271 = tpu.memref_slice %dma_start3A_268[%dma_start3A_269, %dma_start3A_270] : memref<128x128xf32, #tpu.memory_space<vmem>> -> memref<16x128xf32, #tpu.memory_space<vmem>>
    %dma_start3A_272 = arith.constant 0 : i32
    %dma_start3A_273 = tpu.memref_slice %arg6[%dma_start3A_263, %dma_start3A_272] : memref<2x128xi32, #tpu.memory_space<vmem>> -> memref<1x128xi32, #tpu.memory_space<vmem>>
    %dma_start3A_274 = tpu.memref_squeeze %dma_start3A_273 : memref<1x128xi32, #tpu.memory_space<vmem>> -> memref<128xi32, #tpu.memory_space<vmem>>
    %dma_start3A_275 = arith.constant 0 : i32
    %dma_start3A_276 = tpu.memref_slice %dma_start3A_274[%dma_start3A_275] : memref<128xi32, #tpu.memory_space<vmem>> -> memref<16xi32, #tpu.memory_space<vmem>>
    %dma_start3A_277 = arith.constant 0 : i32
    %dma_start3A_278 = arith.constant 0 : i32
    %dma_start3A_279 = tpu.memref_slice %arg3[%dma_start3A_277, %dma_start3A_278] : memref<10000x128xf32, #tpu.memory_space<hbm>> -> memref<10000x128xf32, #tpu.memory_space<hbm>>
    tpu.enqueue_indirect_dma source(%dma_start3A_279 : memref<10000x128xf32, #tpu.memory_space<hbm>>) target(%dma_start3A_271 : memref<16x128xf32, #tpu.memory_space<vmem>>) offsets(%dma_start3A_276 : memref<16xi32, #tpu.memory_space<vmem>>) semaphore(%arg12 : memref<!tpu.dma_semaphore, #tpu.memory_space<semaphore_mem>>)
    %dma_wait3A_280 = arith.constant 0 : i32
    %dma_wait3A_281 = arith.constant 0 : i32
    %dma_wait3A_282 = arith.constant 0 : i32
    %dma_wait3A_283 = arith.constant 0 : i32
    %dma_wait3A_284 = tpu.memref_slice %arg9[%dma_wait3A_281, %dma_wait3A_282, %dma_wait3A_283] : memref<2x128x128xf32, #tpu.memory_space<vmem>> -> memref<1x128x128xf32, #tpu.memory_space<vmem>>
    %dma_wait3A_285 = tpu.memref_squeeze %dma_wait3A_284 : memref<1x128x128xf32, #tpu.memory_space<vmem>> -> memref<128x128xf32, #tpu.memory_space<vmem>>
    %dma_wait3A_286 = arith.constant 0 : i32
    %dma_wait3A_287 = arith.constant 0 : i32
    %dma_wait3A_288 = tpu.memref_slice %dma_wait3A_285[%dma_wait3A_286, %dma_wait3A_287] : memref<128x128xf32, #tpu.memory_space<vmem>> -> memref<16x128xf32, #tpu.memory_space<vmem>>
    %dma_wait3A_289 = arith.constant 0 : i32
    %dma_wait3A_290 = tpu.memref_slice %arg6[%dma_wait3A_280, %dma_wait3A_289] : memref<2x128xi32, #tpu.memory_space<vmem>> -> memref<1x128xi32, #tpu.memory_space<vmem>>
    %dma_wait3A_291 = tpu.memref_squeeze %dma_wait3A_290 : memref<1x128xi32, #tpu.memory_space<vmem>> -> memref<128xi32, #tpu.memory_space<vmem>>
    %dma_wait3A_292 = arith.constant 0 : i32
    %dma_wait3A_293 = tpu.memref_slice %dma_wait3A_291[%dma_wait3A_292] : memref<128xi32, #tpu.memory_space<vmem>> -> memref<16xi32, #tpu.memory_space<vmem>>
    %dma_wait3A_294 = arith.constant 0 : i32
    %dma_wait3A_295 = arith.constant 0 : i32
    %dma_wait3A_296 = tpu.memref_slice %arg3[%dma_wait3A_294, %dma_wait3A_295] : memref<10000x128xf32, #tpu.memory_space<hbm>> -> memref<10000x128xf32, #tpu.memory_space<hbm>>
    tpu.wait_indirect_dma semaphore(%arg12 : memref<!tpu.dma_semaphore, #tpu.memory_space<semaphore_mem>>) src(%dma_wait3A_296 : memref<10000x128xf32, #tpu.memory_space<hbm>>) dst(%dma_wait3A_288 : memref<16x128xf32, #tpu.memory_space<vmem>>)
    %run_scoped3A_297 = arith.constant 0 : i32
    %run_scoped3A_298 = arith.constant 0 : i32
    "tpu.region"() ({
      %run_scoped3A_313 = tpu.sem_alloc : memref<!tpu.dma_semaphore, #tpu.memory_space<semaphore_mem>>
      %dma_start3A_314 = arith.constant 0 : i32
      %dma_start3A_315 = arith.constant 0 : i32
      %dma_start3A_316 = tpu.memref_slice %arg9[%run_scoped3A_297, %dma_start3A_314, %dma_start3A_315] : memref<2x128x128xf32, #tpu.memory_space<vmem>> -> memref<1x128x128xf32, #tpu.memory_space<vmem>>
      %dma_start3A_317 = tpu.memref_squeeze %dma_start3A_316 : memref<1x128x128xf32, #tpu.memory_space<vmem>> -> memref<128x128xf32, #tpu.memory_space<vmem>>
      %dma_start3A_318 = arith.constant 0 : i32
      %dma_start3A_319 = arith.constant 0 : i32
      %dma_start3A_320 = tpu.memref_slice %dma_start3A_317[%dma_start3A_318, %dma_start3A_319] : memref<128x128xf32, #tpu.memory_space<vmem>> -> memref<16x128xf32, #tpu.memory_space<vmem>>
      %dma_start3A_321 = arith.constant 0 : i32
      %dma_start3A_322 = tpu.memref_slice %arg8[%run_scoped3A_298, %dma_start3A_321] : memref<1x16xi32, #tpu.memory_space<vmem>> -> memref<1x16xi32, #tpu.memory_space<vmem>>
      %dma_start3A_323 = tpu.memref_squeeze %dma_start3A_322 : memref<1x16xi32, #tpu.memory_space<vmem>> -> memref<16xi32, #tpu.memory_space<vmem>>
      %dma_start3A_324 = arith.constant 0 : i32
      %dma_start3A_325 = arith.constant 0 : i32
      %dma_start3A_326 = tpu.memref_slice %arg11[%dma_start3A_324, %dma_start3A_325] : memref<10000x128xf32, #tpu.memory_space<vmem_shared>> -> memref<10000x128xf32, #tpu.memory_space<vmem_shared>>
      tpu.enqueue_indirect_dma source(%dma_start3A_320 : memref<16x128xf32, #tpu.memory_space<vmem>>) target(%dma_start3A_326 : memref<10000x128xf32, #tpu.memory_space<vmem_shared>>) offsets(%dma_start3A_323 : memref<16xi32, #tpu.memory_space<vmem>>) semaphore(%run_scoped3A_313 : memref<!tpu.dma_semaphore, #tpu.memory_space<semaphore_mem>>) {add = true}
      %dma_wait3A_327 = arith.constant 0 : i32
      %dma_wait3A_328 = arith.constant 0 : i32
      %dma_wait3A_329 = tpu.memref_slice %arg9[%run_scoped3A_297, %dma_wait3A_327, %dma_wait3A_328] : memref<2x128x128xf32, #tpu.memory_space<vmem>> -> memref<1x128x128xf32, #tpu.memory_space<vmem>>
      %dma_wait3A_330 = tpu.memref_squeeze %dma_wait3A_329 : memref<1x128x128xf32, #tpu.memory_space<vmem>> -> memref<128x128xf32, #tpu.memory_space<vmem>>
      %dma_wait3A_331 = arith.constant 0 : i32
      %dma_wait3A_332 = arith.constant 0 : i32
      %dma_wait3A_333 = tpu.memref_slice %dma_wait3A_330[%dma_wait3A_331, %dma_wait3A_332] : memref<128x128xf32, #tpu.memory_space<vmem>> -> memref<16x128xf32, #tpu.memory_space<vmem>>
      %dma_wait3A_334 = arith.constant 0 : i32
      %dma_wait3A_335 = tpu.memref_slice %arg8[%run_scoped3A_298, %dma_wait3A_334] : memref<1x16xi32, #tpu.memory_space<vmem>> -> memref<1x16xi32, #tpu.memory_space<vmem>>
      %dma_wait3A_336 = tpu.memref_squeeze %dma_wait3A_335 : memref<1x16xi32, #tpu.memory_space<vmem>> -> memref<16xi32, #tpu.memory_space<vmem>>
      %dma_wait3A_337 = arith.constant 0 : i32
      %dma_wait3A_338 = arith.constant 0 : i32
      %dma_wait3A_339 = tpu.memref_slice %arg11[%dma_wait3A_337, %dma_wait3A_338] : memref<10000x128xf32, #tpu.memory_space<vmem_shared>> -> memref<10000x128xf32, #tpu.memory_space<vmem_shared>>
      tpu.wait_indirect_dma semaphore(%run_scoped3A_313 : memref<!tpu.dma_semaphore, #tpu.memory_space<semaphore_mem>>) src(%dma_wait3A_333 : memref<16x128xf32, #tpu.memory_space<vmem>>) dst(%dma_wait3A_339 : memref<10000x128xf32, #tpu.memory_space<vmem_shared>>)
      tpu.yield
    }) : () -> ()
    %get3A_299 = arith.constant 0 : i32
    %get3A_300 = arith.index_cast %get3A_299 : i32 to index
    %get3A_301 = arith.constant 0 : index
    %get3A_302 = tpu.vector_load %arg8[%get3A_300, %get3A_301] {strides = array<i32>} : memref<1x16xi32, #tpu.memory_space<vmem>>, vector<16xi32>,
    tpu.vector_store_idx %arg10[%get3A_302], %broadcast_in_dim3A_40 {add = true} : memref<10000xf32, #tpu.memory_space<vmem>>[vector<16xi32>], vector<16xf32>,
    %barrier3A_303 = arith.constant 0 : index
    tpu.barrier barrier_id(%barrier3A_303)
    %mul3A_304 = arith.constant 624 : i32
    %mul3A_305 = arith.muli %arg1, %mul3A_304 : i32
    %mul3A_306 = arith.constant 624 : i32
    %mul3A_307 = arith.muli %arg1, %mul3A_306 : i32
    "tpu.region"() ({
      %run_scoped3A_313 = tpu.sem_alloc : memref<!tpu.dma_semaphore, #tpu.memory_space<semaphore_mem>>
      %dma_start3A_314 = arith.constant 0 : i32
      %dma_start3A_315 = arith.constant 0 : i32
      %dma_start3A_316 = tpu.memref_slice %arg4[%arg0, %dma_start3A_314, %dma_start3A_315] : memref<2x10000x128xf32, #tpu.memory_space<hbm>> -> memref<1x10000x128xf32, #tpu.memory_space<hbm>>
      %dma_start3A_317 = tpu.memref_squeeze %dma_start3A_316 : memref<1x10000x128xf32, #tpu.memory_space<hbm>> -> memref<10000x128xf32, #tpu.memory_space<hbm>>
      %dma_start3A_318 = arith.constant 0 : i32
      %dma_start3A_319 = tpu.memref_slice %dma_start3A_317[%mul3A_307, %dma_start3A_318] : memref<10000x128xf32, #tpu.memory_space<hbm>> -> memref<624x128xf32, #tpu.memory_space<hbm>>
      %dma_start3A_320 = arith.constant 0 : i32
      %dma_start3A_321 = tpu.memref_slice %arg11[%mul3A_305, %dma_start3A_320] : memref<10000x128xf32, #tpu.memory_space<vmem_shared>> -> memref<624x128xf32, #tpu.memory_space<vmem_shared>>
      tpu.enqueue_dma source(%dma_start3A_321 : memref<624x128xf32, #tpu.memory_space<vmem_shared>>) target(%dma_start3A_319 : memref<624x128xf32, #tpu.memory_space<hbm>>) target_semaphore(%run_scoped3A_313 : memref<!tpu.dma_semaphore, #tpu.memory_space<semaphore_mem>>)
      %dma_wait3A_322 = arith.constant 0 : i32
      %dma_wait3A_323 = arith.constant 0 : i32
      %dma_wait3A_324 = tpu.memref_slice %arg4[%arg0, %dma_wait3A_322, %dma_wait3A_323] : memref<2x10000x128xf32, #tpu.memory_space<hbm>> -> memref<1x10000x128xf32, #tpu.memory_space<hbm>>
      %dma_wait3A_325 = tpu.memref_squeeze %dma_wait3A_324 : memref<1x10000x128xf32, #tpu.memory_space<hbm>> -> memref<10000x128xf32, #tpu.memory_space<hbm>>
      %dma_wait3A_326 = arith.constant 0 : i32
      %dma_wait3A_327 = tpu.memref_slice %dma_wait3A_325[%mul3A_307, %dma_wait3A_326] : memref<10000x128xf32, #tpu.memory_space<hbm>> -> memref<624x128xf32, #tpu.memory_space<hbm>>
      %dma_wait3A_328 = arith.constant 0 : i32
      %dma_wait3A_329 = tpu.memref_slice %arg11[%mul3A_305, %dma_wait3A_328] : memref<10000x128xf32, #tpu.memory_space<vmem_shared>> -> memref<624x128xf32, #tpu.memory_space<vmem_shared>>
      tpu.wait_dma2 semaphore(%run_scoped3A_313 : memref<!tpu.dma_semaphore, #tpu.memory_space<semaphore_mem>>) src(%dma_wait3A_329 : memref<624x128xf32, #tpu.memory_space<vmem_shared>>) dst(%dma_wait3A_327 : memref<624x128xf32, #tpu.memory_space<hbm>>)
      tpu.yield
    }) : () -> ()
    %eq3A_308 = arith.constant 0 : i32
    %eq3A_309 = arith.cmpi eq, %arg1, %eq3A_308 : i32
    %convert_element_type3A_310 = arith.extui %eq3A_309 : i1 to i32
    %cond3A_311 = arith.constant 0 : i32
    %cond3A_312 = arith.cmpi ne, %convert_element_type3A_310, %cond3A_311 : i32
    scf.if %cond3A_312 {
      "tpu.region"() ({
        %run_scoped3A_313 = tpu.sem_alloc : memref<!tpu.dma_semaphore, #tpu.memory_space<semaphore_mem>>
        %dma_start3A_314 = arith.constant 0 : i32
        %dma_start3A_315 = arith.constant 0 : i32
        %dma_start3A_316 = tpu.memref_slice %arg4[%arg0, %dma_start3A_314, %dma_start3A_315] : memref<2x10000x128xf32, #tpu.memory_space<hbm>> -> memref<1x10000x128xf32, #tpu.memory_space<hbm>>
        %dma_start3A_317 = tpu.memref_squeeze %dma_start3A_316 : memref<1x10000x128xf32, #tpu.memory_space<hbm>> -> memref<10000x128xf32, #tpu.memory_space<hbm>>
        %dma_start3A_318 = arith.constant 9984 : i32
        %dma_start3A_319 = arith.constant 0 : i32
        %dma_start3A_320 = tpu.memref_slice %dma_start3A_317[%dma_start3A_318, %dma_start3A_319] : memref<10000x128xf32, #tpu.memory_space<hbm>> -> memref<16x128xf32, #tpu.memory_space<hbm>>
        %dma_start3A_321 = arith.constant 9984 : i32
        %dma_start3A_322 = arith.constant 0 : i32
        %dma_start3A_323 = tpu.memref_slice %arg11[%dma_start3A_321, %dma_start3A_322] : memref<10000x128xf32, #tpu.memory_space<vmem_shared>> -> memref<16x128xf32, #tpu.memory_space<vmem_shared>>
        tpu.enqueue_dma source(%dma_start3A_323 : memref<16x128xf32, #tpu.memory_space<vmem_shared>>) target(%dma_start3A_320 : memref<16x128xf32, #tpu.memory_space<hbm>>) target_semaphore(%run_scoped3A_313 : memref<!tpu.dma_semaphore, #tpu.memory_space<semaphore_mem>>)
        %dma_wait3A_324 = arith.constant 0 : i32
        %dma_wait3A_325 = arith.constant 0 : i32
        %dma_wait3A_326 = tpu.memref_slice %arg4[%arg0, %dma_wait3A_324, %dma_wait3A_325] : memref<2x10000x128xf32, #tpu.memory_space<hbm>> -> memref<1x10000x128xf32, #tpu.memory_space<hbm>>
        %dma_wait3A_327 = tpu.memref_squeeze %dma_wait3A_326 : memref<1x10000x128xf32, #tpu.memory_space<hbm>> -> memref<10000x128xf32, #tpu.memory_space<hbm>>
        %dma_wait3A_328 = arith.constant 9984 : i32
        %dma_wait3A_329 = arith.constant 0 : i32
        %dma_wait3A_330 = tpu.memref_slice %dma_wait3A_327[%dma_wait3A_328, %dma_wait3A_329] : memref<10000x128xf32, #tpu.memory_space<hbm>> -> memref<16x128xf32, #tpu.memory_space<hbm>>
        %dma_wait3A_331 = arith.constant 9984 : i32
        %dma_wait3A_332 = arith.constant 0 : i32
        %dma_wait3A_333 = tpu.memref_slice %arg11[%dma_wait3A_331, %dma_wait3A_332] : memref<10000x128xf32, #tpu.memory_space<vmem_shared>> -> memref<16x128xf32, #tpu.memory_space<vmem_shared>>
        tpu.wait_dma2 semaphore(%run_scoped3A_313 : memref<!tpu.dma_semaphore, #tpu.memory_space<semaphore_mem>>) src(%dma_wait3A_333 : memref<16x128xf32, #tpu.memory_space<vmem_shared>>) dst(%dma_wait3A_330 : memref<16x128xf32, #tpu.memory_space<hbm>>)
        tpu.yield
      }) : () -> ()
    } else {
    }
    "tpu.region"() ({
      %run_scoped3A_313 = tpu.sem_alloc : memref<!tpu.dma_semaphore, #tpu.memory_space<semaphore_mem>>
      %dma_start3A_314 = arith.constant 0 : i32
      %dma_start3A_315 = tpu.memref_slice %arg5[%add3A, %dma_start3A_314] : memref<32x10000xf32, #tpu.memory_space<hbm>> -> memref<1x10000xf32, #tpu.memory_space<hbm>>
      %dma_start3A_316 = tpu.memref_squeeze %dma_start3A_315 : memref<1x10000xf32, #tpu.memory_space<hbm>> -> memref<10000xf32, #tpu.memory_space<hbm>>
      %dma_start3A_317 = arith.constant 0 : i32
      %dma_start3A_318 = tpu.memref_slice %arg5[%add3A, %dma_start3A_317] : memref<32x10000xf32, #tpu.memory_space<hbm>> -> memref<1x10000xf32, #tpu.memory_space<hbm>>
      %dma_start3A_319 = tpu.memref_squeeze %dma_start3A_318 : memref<1x10000xf32, #tpu.memory_space<hbm>> -> memref<10000xf32, #tpu.memory_space<hbm>>
      tpu.enqueue_dma source(%arg10 : memref<10000xf32, #tpu.memory_space<vmem>>) target(%dma_start3A_319 : memref<10000xf32, #tpu.memory_space<hbm>>) target_semaphore(%run_scoped3A_313 : memref<!tpu.dma_semaphore, #tpu.memory_space<semaphore_mem>>)
      %dma_wait3A_320 = arith.constant 0 : i32
      %dma_wait3A_321 = tpu.memref_slice %arg5[%add3A, %dma_wait3A_320] : memref<32x10000xf32, #tpu.memory_space<hbm>> -> memref<1x10000xf32, #tpu.memory_space<hbm>>
      %dma_wait3A_322 = tpu.memref_squeeze %dma_wait3A_321 : memref<1x10000xf32, #tpu.memory_space<hbm>> -> memref<10000xf32, #tpu.memory_space<hbm>>
      %dma_wait3A_323 = arith.constant 0 : i32
      %dma_wait3A_324 = tpu.memref_slice %arg5[%add3A, %dma_wait3A_323] : memref<32x10000xf32, #tpu.memory_space<hbm>> -> memref<1x10000xf32, #tpu.memory_space<hbm>>
      %dma_wait3A_325 = tpu.memref_squeeze %dma_wait3A_324 : memref<1x10000xf32, #tpu.memory_space<hbm>> -> memref<10000xf32, #tpu.memory_space<hbm>>
      tpu.wait_dma2 semaphore(%run_scoped3A_313 : memref<!tpu.dma_semaphore, #tpu.memory_space<semaphore_mem>>) src(%arg10 : memref<10000xf32, #tpu.memory_space<vmem>>) dst(%dma_wait3A_325 : memref<10000xf32, #tpu.memory_space<hbm>>)
      tpu.yield
    }) : () -> ()
    return
  }
}

module attributes {stable_mosaic.version = 14 : i64} {
  func.func @_tc_combine(%arg0: memref<2x10000x128xf32, #tpu.memory_space<vmem>>, %arg1: memref<32x10000xf32, #tpu.memory_space<vmem>>, %arg2: memref<10000x128xf32, #tpu.memory_space<vmem>>, %arg3: memref<128x128xf32, #tpu.memory_space<vmem>>, %arg4: memref<1x128xf32, #tpu.memory_space<vmem>>, %arg5: memref<128x128xf32, #tpu.memory_space<vmem>>, %arg6: memref<1x128xf32, #tpu.memory_space<vmem>>, %arg7: memref<1x128xf32, #tpu.memory_space<vmem>>, %arg8: memref<10000x128xf32, #tpu.memory_space<vmem>>) attributes {dimension_semantics = [], scalar_prefetch = 0 : i64, scratch_operands = 0 : i64, tpu.core_type = #tpu.core_type<tc>} {
    %get3A = arith.constant 0 : index
    %get3A_0 = arith.constant 0 : index
    %get3A_1 = arith.constant 0 : index
    %get3A_2 = vector.load %arg0[%get3A, %get3A_0, %get3A_1] : memref<2x10000x128xf32, #tpu.memory_space<vmem>>, vector<1x10000x128xf32>
    %get3A_3 = vector.shape_cast %get3A_2 : vector<1x10000x128xf32> to vector<10000x128xf32>
    %get3A_4 = arith.constant 1 : index
    %get3A_5 = arith.constant 0 : index
    %get3A_6 = arith.constant 0 : index
    %get3A_7 = vector.load %arg0[%get3A_4, %get3A_5, %get3A_6] : memref<2x10000x128xf32, #tpu.memory_space<vmem>>, vector<1x10000x128xf32>
    %get3A_8 = vector.shape_cast %get3A_7 : vector<1x10000x128xf32> to vector<10000x128xf32>
    %add3A = arith.addf %get3A_3, %get3A_8 : vector<10000x128xf32>
    %get3A_9 = arith.constant 0 : index
    %get3A_10 = arith.constant 0 : index
    %get3A_11 = vector.load %arg1[%get3A_9, %get3A_10] : memref<32x10000xf32, #tpu.memory_space<vmem>>, vector<32x10000xf32>
    %reduce_sum3A = arith.constant dense<0.000000e+00> : vector<10000xf32>
    %reduce_sum3A_12 = vector.multi_reduction <add>, %get3A_11, %reduce_sum3A [0] : vector<32x10000xf32> to vector<10000xf32>
    %max3A = arith.constant 1.000000e+00 : f32
    %max3A_13 = vector.broadcast %max3A : f32 to vector<10000xf32>
    %max3A_14 = arith.maximumf %reduce_sum3A_12, %max3A_13 : vector<10000xf32>
    %broadcast_in_dim3A = vector.shape_cast %max3A_14 : vector<10000xf32> to vector<10000x1xf32>
    %div3A = vector.broadcast %broadcast_in_dim3A : vector<10000x1xf32> to vector<10000x128xf32>
    %div3A_15 = arith.divf %add3A, %div3A : vector<10000x128xf32>
    %get3A_16 = arith.constant 0 : index
    %get3A_17 = arith.constant 0 : index
    %get3A_18 = vector.load %arg3[%get3A_16, %get3A_17] : memref<128x128xf32, #tpu.memory_space<vmem>>, vector<128x128xf32>
    %dot_general3A = arith.constant dense<0.000000e+00> : vector<10000x128xf32>
    %dot_general3A_19 = tpu.matmul %div3A_15, %get3A_18, %dot_general3A {dimension_numbers = #tpu.dot_dimension_numbers<[1], [0], [0], [1], [0, 0, 1, 1], [], []>, transpose_lhs_hint = false} : vector<10000x128xf32>, vector<128x128xf32>, vector<10000x128xf32> -> vector<10000x128xf32>
    %get3A_20 = arith.constant 0 : index
    %get3A_21 = arith.constant 0 : index
    %get3A_22 = vector.load %arg2[%get3A_20, %get3A_21] : memref<10000x128xf32, #tpu.memory_space<vmem>>, vector<10000x128xf32>
    %get3A_23 = arith.constant 0 : index
    %get3A_24 = arith.constant 0 : index
    %get3A_25 = vector.load %arg5[%get3A_23, %get3A_24] : memref<128x128xf32, #tpu.memory_space<vmem>>, vector<128x128xf32>
    %dot_general3A_26 = arith.constant dense<0.000000e+00> : vector<10000x128xf32>
    %dot_general3A_27 = tpu.matmul %get3A_22, %get3A_25, %dot_general3A_26 {dimension_numbers = #tpu.dot_dimension_numbers<[1], [0], [0], [1], [0, 0, 1, 1], [], []>, transpose_lhs_hint = false} : vector<10000x128xf32>, vector<128x128xf32>, vector<10000x128xf32> -> vector<10000x128xf32>
    %add3A_28 = arith.addf %dot_general3A_19, %dot_general3A_27 : vector<10000x128xf32>
    %get3A_29 = arith.constant 0 : index
    %get3A_30 = arith.constant 0 : index
    %get3A_31 = vector.load %arg4[%get3A_29, %get3A_30] : memref<1x128xf32, #tpu.memory_space<vmem>>, vector<1x128xf32>
    %add3A_32 = vector.broadcast %get3A_31 : vector<1x128xf32> to vector<10000x128xf32>
    %add3A_33 = arith.addf %add3A_28, %add3A_32 : vector<10000x128xf32>
    %reduce_sum3A_34 = arith.constant dense<0.000000e+00> : vector<10000xf32>
    %reduce_sum3A_35 = vector.multi_reduction <add>, %add3A_33, %reduce_sum3A_34 [1] : vector<10000x128xf32> to vector<10000xf32>
    %broadcast_in_dim3A_36 = vector.shape_cast %reduce_sum3A_35 : vector<10000xf32> to vector<10000x1xf32>
    %div3A_37 = arith.constant 1.280000e+02 : f32
    %div3A_38 = vector.broadcast %div3A_37 : f32 to vector<10000x1xf32>
    %div3A_39 = arith.divf %broadcast_in_dim3A_36, %div3A_38 : vector<10000x1xf32>
    %sub3A = vector.broadcast %div3A_39 : vector<10000x1xf32> to vector<10000x128xf32>
    %sub3A_40 = arith.subf %add3A_33, %sub3A : vector<10000x128xf32>
    %mul3A = arith.mulf %sub3A_40, %sub3A_40 : vector<10000x128xf32>
    %reduce_sum3A_41 = arith.constant dense<0.000000e+00> : vector<10000xf32>
    %reduce_sum3A_42 = vector.multi_reduction <add>, %mul3A, %reduce_sum3A_41 [1] : vector<10000x128xf32> to vector<10000xf32>
    %broadcast_in_dim3A_43 = vector.shape_cast %reduce_sum3A_42 : vector<10000xf32> to vector<10000x1xf32>
    %div3A_44 = arith.constant 1.280000e+02 : f32
    %div3A_45 = vector.broadcast %div3A_44 : f32 to vector<10000x1xf32>
    %div3A_46 = arith.divf %broadcast_in_dim3A_43, %div3A_45 : vector<10000x1xf32>
    %add3A_47 = arith.constant 9.99999974E-6 : f32
    %add3A_48 = vector.broadcast %add3A_47 : f32 to vector<10000x1xf32>
    %add3A_49 = arith.addf %div3A_46, %add3A_48 : vector<10000x1xf32>
    %rsqrt3A = math.rsqrt %add3A_49 : vector<10000x1xf32>
    %mul3A_50 = vector.broadcast %rsqrt3A : vector<10000x1xf32> to vector<10000x128xf32>
    %mul3A_51 = arith.mulf %sub3A_40, %mul3A_50 : vector<10000x128xf32>
    %get3A_52 = arith.constant 0 : index
    %get3A_53 = arith.constant 0 : index
    %get3A_54 = vector.load %arg6[%get3A_52, %get3A_53] : memref<1x128xf32, #tpu.memory_space<vmem>>, vector<1x128xf32>
    %mul3A_55 = vector.broadcast %get3A_54 : vector<1x128xf32> to vector<10000x128xf32>
    %mul3A_56 = arith.mulf %mul3A_51, %mul3A_55 : vector<10000x128xf32>
    %get3A_57 = arith.constant 0 : index
    %get3A_58 = arith.constant 0 : index
    %get3A_59 = vector.load %arg7[%get3A_57, %get3A_58] : memref<1x128xf32, #tpu.memory_space<vmem>>, vector<1x128xf32>
    %add3A_60 = vector.broadcast %get3A_59 : vector<1x128xf32> to vector<10000x128xf32>
    %add3A_61 = arith.addf %mul3A_56, %add3A_60 : vector<10000x128xf32>
    %mul3A_62 = arith.constant 5.000000e-01 : f32
    %mul3A_63 = vector.broadcast %mul3A_62 : f32 to vector<10000x128xf32>
    %mul3A_64 = arith.mulf %mul3A_63, %add3A_61 : vector<10000x128xf32>
    %mul3A_65 = arith.constant 0.707106769 : f32
    %mul3A_66 = vector.broadcast %mul3A_65 : f32 to vector<10000x128xf32>
    %mul3A_67 = arith.mulf %add3A_61, %mul3A_66 : vector<10000x128xf32>
    %erf3A = math.erf %mul3A_67 : vector<10000x128xf32>
    %add3A_68 = arith.constant 1.000000e+00 : f32
    %add3A_69 = vector.broadcast %add3A_68 : f32 to vector<10000x128xf32>
    %add3A_70 = arith.addf %add3A_69, %erf3A : vector<10000x128xf32>
    %mul3A_71 = arith.mulf %mul3A_64, %add3A_70 : vector<10000x128xf32>
    %swap3A = arith.constant 0 : index
    %swap3A_72 = arith.constant 0 : index
    %swap3A_73 = vector.load %arg8[%swap3A, %swap3A_72] : memref<10000x128xf32, #tpu.memory_space<vmem>>, vector<10000x128xf32>
    tpu.vector_store %arg8[%swap3A, %swap3A_72], %mul3A_71 {strides = array<i32>} : memref<10000x128xf32, #tpu.memory_space<vmem>>, vector<10000x128xf32>,
    return
  }
}

</mosaic_0001>

<sc_bundles>
// kernel: kernel.4.cloned.1.call-start
scs
__scs_entry_jumppad:
0x0: {  	(pc) =	sbr.rel $0x88, $3  }
0x1: {  	(tag) =	ssettag $0x0;
	lr =	simm.s32 $0x1  }
0x2: {  	[smem:$0x3F9A] =	sst lr;
	_ =	strace $0xD0000000  }
0x3: {  	_ = 	snop  }
0x4: {  	_ = 	snop  }
0x5: {  	_ = 	snop  }
0x6: {  	_ = 	snop  }
0x7: {  	_ = 	snop  }
__scs_overlays_trampoline_lowered:
0x8: {  	[smem:$0x3FA9] =	sst s0  }
0x9: {  	[smem:$0x3FAA] =	sst s1  }
0xa: {  	[smem:$0x3FAB] =	sst s2  }
0xb: {  	[smem:$0x3FAC] =	sst s3  }
0xc: {  	[smem:$0x3FAD] =	sst s4  }
0xd: {  	[smem:$0x3FAE] =	sst s5  }
0xe: {  	[smem:$0x3FAF] =	sst s6  }
0xf: {  	[smem:$0x3FB0] =	sst s7  }
0x10: {  	[smem:$0x3FB1] =	sst s8  }
0x11: {  	[smem:$0x3FB2] =	sst s9;
	s0 =	simm.s32 @!p0 $0x0  }
0x12: {  	s1 =	sld [smem:$0x3F98];
	s0 =	simm.s32 @p0 $0x1  }
0x13: {  	[smem:$0x3FB3] =	sst s0;
	s0 =	simm.s32 @!p1 $0x0  }
0x14: {  	s2 =	sld [smem:$0x3F97];
	s0 =	simm.s32 @p1 $0x1  }
0x15: {  	[smem:$0x3FB4] =	sst s0;
	s0 =	simm.s32 @!p2 $0x0  }
0x16: {  	s3 =	sld [smem:$0x3FDB];
	s0 =	simm.s32 @p2 $0x1  }
0x17: {  	s4 =	simm.s32 $0x1BF5;
	[smem:$0x3FB6] =	sst s0  }
0x18: {  	s0 =	sld [smem:$0x3F99];
	_ =	swait.ge [sflag:s4], $0x0  }
0x19: {  	s7 =	sld [smem:$0x3F9A]  }
0x1a: {  	s8 =	sadd.s32 $0xFFFFE003, lr  }
0x1b: {  	s9 =	sadd.s32 $0xFFFFFEF7, lr;
	s5 =	simm.s32 $0xFFFFFFFF;
	p2 =	slt.u32 s8, $0xFFFFF086  }
0x1c: {  	p1 =	slt.u32 s9, $0xF7A;
	s5 =	simm.s32 @!p2 $0x0  }
0x1d: {  	s5 =	simm.s32 @p1 $0x1;
	p0 =	seq.s32 s7, s2  }
0x1e: {  	s7 =	smul.u32 @!p0 $0xF7A, s2;
	p2 =	seq.s32 @!p0 s5, $0x0  }
0x1f: {  	s9 =	smul.u32 $0xF7A, s1;
	s8 =	simm.s32 @!p0 $0x1BF5;
	p2 =	por !p2, p0  }
0x20: {  	[sflag:s8] =	ssyncset.s32 @!p0 $0xFFFFF086;
	s6 =	sadd.s32 @!p0 s3, s7;
	s7 =	simm.s32 @!p0 $0x108  }
0x21: {  	s3 =	sadd.s32 s3, s9;
	s6 =	sadd.s32 @!p0 $0x88, s6;
	s7 =	simm.s32 @p2 $0x1082  }
0x22: {  	[simem:s7], [sflag:s8] =	dma.local @!p0 [hbm:s6], $0xF7A  }
0x23: {  	s9 =	sor.u32 $0xD0000000, s2;
	s6 =	simm.s32 $0x108;
	_ =	swait.ge @!p0 [sflag:s8], $0x0  }
0x24: {  	s3 =	sadd.s32 $0x88, s3;
	s6 =	simm.s32 @!p1 $0x1082;
	[sflag:s4] =	ssyncset.s32 $0xFFFFF086  }
0x25: {  	[simem:s6], [sflag:s4] =	dma.local [hbm:s3], $0xF7A  }
0x26: {  	[smem:$0x3F9A] =	sst s1;
	(tag) =	ssettag s2;
	_ =	strace s9  }
0x27: {  	s1 =	sld [smem:$0x3FAA]  }
0x28: {  	s2 =	sld [smem:$0x3FAB]  }
0x29: {  	s4 =	sld [smem:$0x3FAD]  }
0x2a: {  	p0 =	seq.s32 s5, $0x0;
	s5 =	sld [smem:$0x3FAE]  }
0x2b: {  	s6 =	sld [smem:$0x3FAF]  }
0x2c: {  	s7 =	sld [smem:$0x3FB0]  }
0x2d: {  	s3 =	simm.s32 $0x108;
	s8 =	sld [smem:$0x3FB1]  }
0x2e: {  	s3 =	simm.s32 @!p0 $0x1082;
	s9 =	sld [smem:$0x3FB2]  }
0x2f: {  	lr =	sadd.s32 s0, s3;
	s0 =	sld [smem:$0x3FA9]  }
0x30: {  	s3 =	sld [smem:$0x3FAC]  }
0x31: {  	[smem:$0x3FB5] =	sst s10  }
0x32: {  	s10 =	sld [smem:$0x3FB3];
	_ =	sdelay $0x3  }
0x33: {  	p0 =	seq.s32 s10, $0x1;
	s10 =	sld [smem:$0x3FB5];
	_ =	sdelay $0x3  }
0x34: {  	[smem:$0x3FB5] =	sst s10  }
0x35: {  	s10 =	sld [smem:$0x3FB4];
	_ =	sdelay $0x3  }
0x36: {  	p1 =	seq.s32 s10, $0x1;
	s10 =	sld [smem:$0x3FB5];
	_ =	sdelay $0x3  }
0x37: {  	[smem:$0x3FB5] =	sst s10  }
0x38: {  	s10 =	sld [smem:$0x3FB6]  }
0x39: {  	_ = 	snop;
	(pc) =	sbr.ind lr, $3  }
0x3a: {  	_ = 	snop  }
0x3b: {  	_ = 	snop  }
0x3c: {  	p2 =	seq.s32 s10, $0x1;
	s10 =	sld [smem:$0x3FB5]  }
0x3d: {  	_ =	shalt  }
0x3e: {  	_ =	shalt  }
0x3f: {  	_ =	shalt  }
0x40: {  	_ =	shalt  }
0x41: {  	_ =	shalt  }
0x42: {  	_ =	shalt  }
0x43: {  	_ =	shalt  }
0x44: {  	_ =	shalt  }
0x45: {  	_ =	shalt  }
0x46: {  	_ =	shalt  }
0x47: {  	_ =	shalt  }
0x48: {  	_ =	shalt  }
0x49: {  	_ =	shalt  }
0x4a: {  	_ =	shalt  }
0x4b: {  	_ =	shalt  }
0x4c: {  	_ =	shalt  }
0x4d: {  	_ =	shalt  }
0x4e: {  	_ =	shalt  }
0x4f: {  	_ =	shalt  }
0x50: {  	_ =	shalt  }
0x51: {  	_ =	shalt  }
0x52: {  	_ =	shalt  }
0x53: {  	_ =	shalt  }
0x54: {  	_ =	shalt  }
0x55: {  	_ =	shalt  }
0x56: {  	_ =	shalt  }
0x57: {  	_ =	shalt  }
0x58: {  	_ =	shalt  }
0x59: {  	_ =	shalt  }
0x5a: {  	_ =	shalt  }
0x5b: {  	_ =	shalt  }
0x5c: {  	_ =	shalt  }
0x5d: {  	_ =	shalt  }
0x5e: {  	_ =	shalt  }
0x5f: {  	_ =	shalt  }
0x60: {  	_ =	shalt  }
0x61: {  	_ =	shalt  }
0x62: {  	_ =	shalt  }
0x63: {  	_ =	shalt  }
0x64: {  	_ =	shalt  }
0x65: {  	_ =	shalt  }
0x66: {  	_ =	shalt  }
0x67: {  	_ =	shalt  }
0x68: {  	_ =	shalt  }
0x69: {  	_ =	shalt  }
0x6a: {  	_ =	shalt  }
0x6b: {  	_ =	shalt  }
0x6c: {  	_ =	shalt  }
0x6d: {  	_ =	shalt  }
0x6e: {  	_ =	shalt  }
0x6f: {  	_ =	shalt  }
0x70: {  	_ =	shalt  }
0x71: {  	_ =	shalt  }
0x72: {  	_ =	shalt  }
0x73: {  	_ =	shalt  }
0x74: {  	_ =	shalt  }
0x75: {  	_ =	shalt  }
0x76: {  	_ =	shalt  }
0x77: {  	_ =	shalt  }
0x78: {  	_ =	shalt  }
0x79: {  	_ =	shalt  }
0x7a: {  	_ =	shalt  }
0x7b: {  	_ =	shalt  }
0x7c: {  	_ =	shalt  }
0x7d: {  	_ =	shalt  }
0x7e: {  	_ =	shalt  }
0x7f: {  	_ =	shalt  }
0x80: {  	_ =	shalt  }
0x81: {  	_ =	shalt  }
0x82: {  	_ =	shalt  }
0x83: {  	_ =	shalt  }
0x84: {  	_ =	shalt  }
0x85: {  	_ =	shalt  }
0x86: {  	_ =	shalt  }
0x87: {  	_ =	shalt  }
.Lfunc_end0:
.L_simem_size_0:
called_computation_lowered:
.L_overlay_start_0:
0x88: {  	s2 =	sld [smem:$0x3FD9]  }
0x89: {  	s3 =	sld [smem:$0x3FFE];
	_ =	sdelay $0x1  }
0x8a: {  	s1 =	srdreg.scid  }
0x8b: {  	s0 =	sand.u32 $0x1, s1  }
0x8c: {  	s17 =	sshll.u32 s0, $0xA;
	s2 =	sadd.s32 s3, s2  }
0x8d: {  	s2 =	sadd.s32 s2, s17  }
0x8e: {  	[smem:$0x3FC1] =	sst s2  }
0x8f: {  	_ = 	snop  }
0x90: {  	s2 =	sld [smem:$0x3FC9]  }
0x91: {  	s18 =	sld [smem:$0x3FD0];
	(tm) =	ssettm $0x1  }
0x92: {  	s4 =	sld [smem:$0x3FFB];
	_ =	sdelay $0x3  }
0x93: {  	_ =	strace s4  }
0x94: {  	s4 =	sld [smem:$0x3FFC];
	_ =	sdelay $0x3  }
0x95: {  	_ =	strace s4  }
0x96: {  	s4 =	sld [smem:$0x3FFD];
	_ =	sdelay $0x3  }
0x97: {  	_ =	strace s4  }
0x98: {  	_ =	strace $0x8FFFFFFF  }
0x99: {  	s19 =	sld [smem:$0x3FDB];
	_ =	sdelay $0x1  }
0x9a: {  	s5 =	simm.s32 $_scs_section_size  }
0x9b: {  	s6 =	simm.s32 $_size__tile_overlayer_lowered;
	s7 =	simm.s32 $_tile_overlayer_lowered  }
0x9c: {  	s22 =	simm.s32 $0x1BFF;
	s21 =	sshll.u32 s7, $0x1;
	s4 =	sadd.s32 s5, s19  }
0x9d: {  	s8 =	simm.s32 $0x0;
	s20 =	sshll.u32 s6, $0x1;
	s6 =	sadd.s32 s21, s4  }
0x9e: {  	[timem:s8], [sflag:s22] =	dma.local [hbm:s6], s20  }
0x9f: {  	_ =	swait.ge [sflag:s22], s20  }
0xa0: {  	s5 =	ssub.s32 $0x0, s20;
	[sflag:s22] =	ssyncset.done $0x0  }
0xa1: {  	[sflag:s22] =	ssyncadd.s32 s5;
	_ =	sdelay $0x1  }
0xa2: {  	s23 =	simm.s32 $0x1B8B  }
0xa3: {  	_ =	swait.ge [sflag:s23], $0x1  }
0xa4: {  	[sflag:s23] =	ssyncset.done $0x0  }
0xa5: {  	s25 =	simm.s32 $0x1B8E;
	s24 =	sld [smem:$0x3FFE];
	[sflag:s23] =	ssyncadd.s32 $0xFFFFFFFF  }
0xa6: {  	s26 =	simm.s32 $execute0_lowered;
	[smem:$0x3FD2] =	sst s25  }
0xa7: {  	s6 =	sshll.u32 s26, $0x1;
	_ =	strace $0x80000046;
	[dreg:$0x1] =	wrdreg $0xFFFFFFFF  }
0xa8: {  	s28 =	simm.s32 $_size_execute0_lowered;
	s4 =	sadd.s32 s4, s6;
	[dreg:$0x0] =	wrdreg $0x0  }
0xa9: {  	s6 =	sshll.u32 s28, $0x1;
	[dreg:$0x2] =	wrdreg s4  }
0xaa: {  	[dreg:$0x3] =	wrdreg s6  }
0xab: {  	[dreg:$0x4] =	wrdreg $0xC0  }
0xac: {  	_ =	task [dreg:s8], $0x5FFFF  }
0xad: {  	[dreg:$0x1] =	wrdreg $0xFFFFFFFF  }
0xae: {  	[dreg:$0x0] =	wrdreg $0x60  }
0xaf: {  	[dreg:$0x2] =	wrdreg s18  }
0xb0: {  	[dreg:$0x3] =	wrdreg s2  }
0xb1: {  	[dreg:$0x4] =	wrdreg s24  }
0xb2: {  	[dreg:$0x5] =	wrdreg $0xAA000  }
0xb3: {  	[dreg:$0x6] =	wrdreg $0x9  }
0xb4: {  	_ =	task.clear_ibuf [dreg:s8], $0x7FFFF;
	_ =	strace $0x90000046  }
0xb5: {  	s29 =	simm.s32 $0x9;
	_ =	strace $0x80000048  }
0xb6: {  	_ =	swait.ge [sflag:s29], $0x1  }
0xb7: {  	[sflag:s29] =	ssyncadd.s32 $0xFFFFFFFF  }
0xb8: {  	_ =	strace $0x90000048  }
0xb9: {  	_ =	sfence  }
0xba: {  	s30 =	sld [smem:$0x0];
	_ =	sdelay $0x2  }
0xbb: {  	s31 =	sshll.u32 s1, $0xD;
	s1 =	sshrl.u32 s1, $0x2  }
0xbc: {  	s3 =	sand.u32 $0x4000, s31;
	s1 =	sadd.s32 s1, s30  }
0xbd: {  	s0 =	sor.u32 s3, s0;
	s1 =	sshll.u32 s1, $0x11  }
0xbe: {  	s0 =	sor.u32 s1, s0  }
0xbf: {  	s0 =	sadd.s32 $0x8F2B, s0  }
0xc0: {  	[sflag:s0] =	ssyncadd.remote.s32 $0x1  }
0xc1: {  	_ =	sfence.sel $0xFFFF  }
0xc2: {  	[dreg:$0x0] =	wrdreg $0xFFFFFFFF;
	(pc) =	sbr.abs _section_cstart, $3  }
0xc3: {  	[dreg:$0x1] =	wrdreg $0xFFFFFFFF  }
0xc4: {  	_ =	task.clear_ibuf [dreg:s8], $0x2FFFF;
	_ =	strace $0x9FFFFFFF  }
0xc5: {  	(tm) =	ssettm $0x7FFFFFFF  }
tec
execute0_lowered:
.L_overlay_start_1:
0x0: {  	(tag) =	ssettag $0x1  }
0x1: {  	s0 =	rddreg [dreg:$0x0]  }
0x2: {  	s1 =	rddreg [dreg:$0x1]  }
0x3: {  	s2 =	srdreg.scid;
	s3 =	rddreg [dreg:$0x2]  }
0x4: {  	s13 =	stileid.u32;
	s4 =	rddreg [dreg:$0x3];
	s28 =	simm.s32 $0x5  }
0x5: {  	s29 =	simm.s32 $0x100;
	s30 =	simm.s32 $0x80;
	s22 =	smul.u32 $0x4E000, s13  }
0x6: {  	s31 =	simm.s32 $0x180;
	s2 =	sand.u32 $0x1, s2;
	s14 =	smul.u32 $0x2710, s13  }
0x7: {  	s8 =	sshll.u32 s13, $0x7;
	s19 =	smul.u32 $0x2700, s13;
	p0 =	sne.s32 s13, $0x0  }
0x8: {  	s5 =	sshll.u32 s2, $0x4;
	s9 =	smul.u32 $0x27100, s2;
	s8 =	sand.u32 $0x380, s8  }
0x9: {  	s2 =	ssub.s32 $0x2, s2;
	s6 =	sor.u32 s13, s5;
	s5 =	simm.s32 $0x0  }
0xa: {  	s11 =	sshrl.u32 s2, $0x1;
	s23 =	sshrl.u32 s22, $0x2;
	s13 =	simm.s32 $0x200  }
0xb: {  	s7 =	sshrl.u32 s6, $0x3;
	[smem:$0x7FF] =	sst s5;
	s10 =	sadd.s32 s9, s3  }
0xc: {  	s12 =	smul.u32 $0x2710, s6;
	s2 =	ssub.s32 s2, s11;
	s6 =	sadd.s32 s23, s4  }
0xd: {  	s7 =	smul.u32 $0x13C00, s7;
	_ =	strace $0x80000047;
	s24 =	sadd.s32 $0x4000, s6  }
0xe: {  	s25 =	sadd.s32 $0x8000, s6;
	s11 =	sadd.s32 $0xC000, s6;
	[dreg:$0x5] =	wrdreg s24  }
0xf: {  	s20 =	smax.u32 s2, $0x1;
	s2 =	simm.s32 $0x3;
	[dreg:$0x6] =	wrdreg s25  }
0x10: {  	s26 =	sshrl.u32 s12, $0x3;
	[dreg:$0x7] =	wrdreg s11;
	s12 =	sadd.s32 $0x10000, s6  }
0x11: {  	s7 =	sor.u32 s8, s7;
	[dreg:$0x8] =	wrdreg s12;
	s11 =	sadd.s32 s0, s26  }
0x12: {  	s12 =	sadd.s32 $0x138000, s4;
	s8 =	simm.s32 $0x4280;
	s15 =	sadd.s32 $0x10, s11  }
0x13: {  	s7 =	sshrl.u32 s7, $0x3;
	s16 =	sadd.s32 $0x9C50, s11;
	[dreg:$0xa] =	wrdreg s15  }
0x14: {  	s17 =	sadd.s32 $0x4E0, s11;
	s18 =	sadd.s32 $0xA120, s11;
	[dreg:$0xb] =	wrdreg s16  }
0x15: {  	s3 =	sadd.s32 s7, s3;
	s7 =	sadd.s32 $0x9C40, s11;
	[dreg:$0xc] =	wrdreg s17  }
0x16: {  	[dreg:$0xd] =	wrdreg s18;
	s18 =	sadd.s32 $0x1E00, s10;
	s10 =	simm.s32 $0x2  }
0x17: {  	s15 =	simm.s32 $0x0;
	[dreg:$0x9] =	wrdreg s7;
	s7 =	sadd.s32 s14, s9  }
0x18: {  	s3 =	sadd.s32 $0x50000, s3;
	s9 =	simm.s32 $0x8280;
	s14 =	simm.s32 $0x10  }
0x19: {  	[dreg:$0xe] =	wrdreg s3;
	s21 =	sadd.s32 $0x4E300, s7;
	s23 =	sadd.s32 $0x4E380, s7  }
0x1a: {  	s25 =	sadd.s32 $0x180, s7;
	s17 =	sadd.s32 $0x100, s7;
	s3 =	simm.s32 $0x1  }
0x1b: {  	s7 =	simm.s32 $0x4;
	s22 =	sshrl.u32 s21, $0x3;
	s24 =	sshrl.u32 s23, $0x3  }
0x1c: {  	s26 =	sshrl.u32 s25, $0x3;
	s25 =	sadd.s32 s19, s18;
	s21 =	sadd.s32 s22, s0  }
0x1d: {  	v0 =	vimm.f32 $0.0e+00;
	v1 =	vimm.f32 $1.000000000e+00;
	s23 =	sadd.s32 s24, s0;
	s24 =	sadd.s32 s26, s0;
	s26 =	simm.s32 $0x280  }
.LBB2_1:
0x1e: {  	s16 =	simm.s32 $0x0  }
.LBB2_2:
0x1f: {  	p1 =	sne.s32 s16, $0x9C00  }
.Ltmp0:
0x20: {  	_ = 	snop;
	(pc) =	sbr.rel @p1 .LBB2_2-.Ltmp0, $3  }
0x21: {  	_ =	sdelay $0x1  }
0x22: {  	s22 =	sshra.s32 s16, $0x2  }
0x23: {  	s16 =	sadd.s32 $0x40, s16;
	[tilespmem:s22+$0x8280] =	vst v0  }
0x24: {  	s16 =	simm.s32 $0x0;
	s22 =	simm.s32 $0x200  }
.LBB2_4:
0x25: {  	p1 =	sne.s32 s22, $0xFE00;
	[tilespmem:s16+$0x2F0] =	vst v0  }
0x26: {  	[tilespmem:s16+$0x280] =	vst v0  }
0x27: {  	[tilespmem:s16+$0x290] =	vst v0  }
.Ltmp1:
0x28: {  	[tilespmem:s16+$0x2A0] =	vst v0;
	(pc) =	sbr.rel @p1 .LBB2_4-.Ltmp1, $4  }
0x29: {  	[tilespmem:s16+$0x2B0] =	vst v0  }
0x2a: {  	[tilespmem:s16+$0x2C0] =	vst v0  }
0x2b: {  	[tilespmem:s16+$0x2D0] =	vst v0  }
0x2c: {  	[tilespmem:s16+$0x2E0] =	vst v0;
	s16 =	sshra.s32 s22, $0x2;
	s22 =	sadd.s32 $0x200, s22  }
0x2d: {  	[tilespmem:s16+$0x2F0] =	vst v0  }
0x2e: {  	[tilespmem:s16+$0x280] =	vst v0  }
0x2f: {  	[tilespmem:s16+$0x290] =	vst v0  }
0x30: {  	[tilespmem:s16+$0x2A0] =	vst v0  }
0x31: {  	[tilespmem:s16+$0x2B0] =	vst v0  }
0x32: {  	[tilespmem:s16+$0x2C0] =	vst v0  }
0x33: {  	[tilespmem:s16+$0x2D0] =	vst v0  }
0x34: {  	[tilespmem:s16+$0x2E0] =	vst v0  }
0x35: {  	[spmem:s6] =	stream.linear.scatter [tilespmem:s26], [sflag:$0x5], $0x4000, $0x38;
	[tilespmem:$0x1E280] =	vst v63  }
0x36: {  	_ =	swait.ge [sflag:s28], $0x4000  }
0x37: {  	[sflag:s28] =	ssyncset.done $0x0  }
0x38: {  	s22 =	rddreg [dreg:$0x5];
	[sflag:s28] =	ssyncadd.s32 $0xFFFFC000  }
0x39: {  	[spmem:s22] =	stream.linear.scatter [tilespmem:s26], [sflag:$0x5], $0x4000, $0x38;
	[tilespmem:$0x1E280] =	vst v63  }
0x3a: {  	_ =	swait.ge [sflag:s28], $0x4000  }
0x3b: {  	[sflag:s28] =	ssyncset.done $0x0  }
0x3c: {  	s19 =	rddreg [dreg:$0x6];
	[sflag:s28] =	ssyncadd.s32 $0xFFFFC000  }
0x3d: {  	[spmem:s19] =	stream.linear.scatter [tilespmem:s26], [sflag:$0x5], $0x4000, $0x38;
	[tilespmem:$0x1E280] =	vst v63  }
0x3e: {  	_ =	swait.ge [sflag:s28], $0x4000  }
0x3f: {  	[sflag:s28] =	ssyncset.done $0x0  }
0x40: {  	s22 =	rddreg [dreg:$0x7];
	[sflag:s28] =	ssyncadd.s32 $0xFFFFC000  }
0x41: {  	[spmem:s22] =	stream.linear.scatter [tilespmem:s26], [sflag:$0x5], $0x4000, $0x38;
	[tilespmem:$0x1E280] =	vst v63  }
0x42: {  	_ =	swait.ge [sflag:s28], $0x4000  }
0x43: {  	[sflag:s28] =	ssyncset.done $0x0  }
0x44: {  	s19 =	rddreg [dreg:$0x8];
	[sflag:s28] =	ssyncadd.s32 $0xFFFFC000  }
0x45: {  	[spmem:s19] =	stream.linear.scatter [tilespmem:s26], [sflag:$0x5], $0x3800, $0x38;
	[tilespmem:$0x1E280] =	vst v63  }
0x46: {  	_ =	swait.ge [sflag:s28], $0x3800  }
0x47: {  	[sflag:s28] =	ssyncset.done $0x0  }
0x48: {  	s16 =	simm.s32 @!p0 $0x280;
	[sflag:s28] =	ssyncadd.s32 $0xFFFFC800  }
0x49: {  	[spmem:s12] =	stream.linear.scatter @!p0 [tilespmem:s16], [sflag:$0x5], $0x800, $0x38;
	[tilespmem:$0x1E280] =	vst v63  }
0x4a: {  	s16 =	simm.s32 @!p0 $0x5  }
0x4b: {  	_ =	swait.ge @!p0 [sflag:s16], $0x800  }
0x4c: {  	[sflag:s16] =	ssyncset.done @!p0 $0x0  }
0x4d: {  	[sflag:s16] =	ssyncadd.s32 @!p0 $0xFFFFF800  }
0x4e: {  	s16 =	simm.s32 $0x0;
	[bflag:$0x0] =	sbarrier.arrive $0xFFFF  }
0x4f: {  	[tilespmem:s16], [sflag:$0x3] =	stream.linear.gather [hbm4b:s11+s16], $0x80, $0x38;
	[tilespmem:$0x1E280] =	vst v63  }
0x50: {  	s19 =	rddreg [dreg:$0x9]  }
0x51: {  	[tilespmem:s29], [sflag:$0x3] =	stream.linear.gather [hbm4b:s19+s16], $0x80, $0x38;
	[tilespmem:$0x1E280] =	vst v63  }
0x52: {  	s22 =	rddreg [dreg:$0xa]  }
0x53: {  	[tilespmem:s30], [sflag:$0x4] =	stream.linear.gather [hbm4b:s22+s16], $0x80, $0x38;
	[tilespmem:$0x1E280] =	vst v63  }
0x54: {  	s22 =	rddreg [dreg:$0xb]  }
0x55: {  	[tilespmem:s31], [sflag:$0x4] =	stream.linear.gather [hbm4b:s22+s16], $0x80, $0x38;
	[tilespmem:$0x1E280] =	vst v63  }
0x56: {  	_ =	swait.ge [sflag:s2], $0x80  }
0x57: {  	[sflag:s2] =	ssyncset.done $0x0  }
0x58: {  	[sflag:s2] =	ssyncadd.s32 $0xFFFFFF80  }
0x59: {  	_ =	swait.ge [sflag:s2], $0x80  }
0x5a: {  	[sflag:s2] =	ssyncset.done $0x0  }
0x5b: {  	s22 =	smov.u32 s17;
	[sflag:s2] =	ssyncadd.s32 $0xFFFFFF80  }
0x5c: {  	[tilespmem:s26], [sflag:$0x1] =	stream.indirect.gather [hbm4b:s1+s30], $0x80, s16, s30, $0xb8;
	[tilespmem:$0x1E280] =	vst v63  }
.LBB2_6:
0x5d: {  	_ =	swait.ge [sflag:s3], $0x4000  }
0x5e: {  	[sflag:s3] =	ssyncset.done $0x0  }
0x5f: {  	[sflag:s3] =	ssyncadd.s32 $0xFFFFC000  }
0x60: {  	_ =	swait.ge [sflag:s7], $0x80  }
0x61: {  	[sflag:s7] =	ssyncset.done $0x0  }
0x62: {  	[sflag:s7] =	ssyncadd.s32 $0xFFFFFF80  }
0x63: {  	_ =	swait.ge [sflag:s7], $0x80  }
0x64: {  	[sflag:s7] =	ssyncset.done $0x0  }
0x65: {  	[sflag:s7] =	ssyncadd.s32 $0xFFFFFF80  }
0x66: {  	[tilespmem:s8], [sflag:$0x2] =	stream.indirect.gather [hbm4b:s1+s30], $0x80, s30, s30, $0xb8;
	[tilespmem:$0x1E280] =	vst v63  }
0x67: {  	_ = 	snop  }
0x68: {  	[spmem:s4] =	stream.indirect.scatter.add.f32 [tilespmem:s26], [sflag:$0x5], $0x80, s29, s30, $0xb8;
	[tilespmem:$0x1E280] =	vst v63  }
0x69: {  	_ =	swait.ge [sflag:s28], $0x4000  }
0x6a: {  	[sflag:s28] =	ssyncset.done $0x0  }
0x6b: {  	[sflag:s28] =	ssyncadd.s32 $0xFFFFC000  }
0x6c: {  	v2 =	vld [tilespmem:$0x100];
	_ =	sdelay $0x7  }
0x6d: {  	[tilespmem:v2+s9+$0x0] =	vst.idx.add.f32.msk $0xffff, v1  }
0x6e: {  	v2 =	vld [tilespmem:$0x110];
	_ =	sdelay $0x7  }
0x6f: {  	[tilespmem:v2+s9+$0x0] =	vst.idx.add.f32.msk $0xffff, v1  }
0x70: {  	v2 =	vld [tilespmem:$0x120];
	_ =	sdelay $0x7  }
0x71: {  	[tilespmem:v2+s9+$0x0] =	vst.idx.add.f32.msk $0xffff, v1  }
0x72: {  	v2 =	vld [tilespmem:$0x130];
	_ =	sdelay $0x7  }
0x73: {  	[tilespmem:v2+s9+$0x0] =	vst.idx.add.f32.msk $0xffff, v1  }
0x74: {  	v2 =	vld [tilespmem:$0x140];
	_ =	sdelay $0x7  }
0x75: {  	[tilespmem:v2+s9+$0x0] =	vst.idx.add.f32.msk $0xffff, v1  }
0x76: {  	v2 =	vld [tilespmem:$0x150];
	_ =	sdelay $0x7  }
0x77: {  	[tilespmem:v2+s9+$0x0] =	vst.idx.add.f32.msk $0xffff, v1  }
0x78: {  	v2 =	vld [tilespmem:$0x160];
	_ =	sdelay $0x7  }
0x79: {  	[tilespmem:v2+s9+$0x0] =	vst.idx.add.f32.msk $0xffff, v1  }
0x7a: {  	v2 =	vld [tilespmem:$0x170];
	_ =	sdelay $0x6  }
0x7b: {  	s19 =	sshrl.u32 s22, $0x3  }
0x7c: {  	s19 =	sadd.s32 s0, s19;
	[tilespmem:v2+s9+$0x0] =	vst.idx.add.f32.msk $0xffff, v1  }
0x7d: {  	[tilespmem:s5], [sflag:$0x3] =	stream.linear.gather [hbm4b:s19+s5], $0x80, $0x38;
	[tilespmem:$0x1E280] =	vst v63  }
0x7e: {  	s19 =	sadd.s32 s16, s21  }
0x7f: {  	[tilespmem:s29], [sflag:$0x3] =	stream.linear.gather [hbm4b:s19+s5], $0x80, $0x38;
	[tilespmem:$0x1E280] =	vst v63  }
0x80: {  	_ =	swait.ge [sflag:s10], $0x4000  }
0x81: {  	[sflag:s10] =	ssyncset.done $0x0  }
0x82: {  	[sflag:s10] =	ssyncadd.s32 $0xFFFFC000  }
0x83: {  	_ =	swait.ge [sflag:s2], $0x80  }
0x84: {  	[sflag:s2] =	ssyncset.done $0x0  }
0x85: {  	[sflag:s2] =	ssyncadd.s32 $0xFFFFFF80  }
0x86: {  	_ =	swait.ge [sflag:s2], $0x80  }
0x87: {  	[sflag:s2] =	ssyncset.done $0x0  }
0x88: {  	[sflag:s2] =	ssyncadd.s32 $0xFFFFFF80  }
0x89: {  	[tilespmem:s26], [sflag:$0x1] =	stream.indirect.gather [hbm4b:s1+s30], $0x80, s5, s30, $0xb8;
	[tilespmem:$0x1E280] =	vst v63  }
0x8a: {  	_ = 	snop  }
0x8b: {  	[spmem:s4] =	stream.indirect.scatter.add.f32 [tilespmem:s8], [sflag:$0x5], $0x80, s31, s30, $0xb8;
	[tilespmem:$0x1E280] =	vst v63  }
0x8c: {  	_ =	swait.ge [sflag:s28], $0x4000  }
0x8d: {  	[sflag:s28] =	ssyncset.done $0x0  }
0x8e: {  	[sflag:s28] =	ssyncadd.s32 $0xFFFFC000  }
0x8f: {  	v2 =	vld [tilespmem:$0x180];
	_ =	sdelay $0x7  }
0x90: {  	[tilespmem:v2+s9+$0x0] =	vst.idx.add.f32.msk $0xffff, v1  }
0x91: {  	v2 =	vld [tilespmem:$0x190];
	_ =	sdelay $0x7  }
0x92: {  	[tilespmem:v2+s9+$0x0] =	vst.idx.add.f32.msk $0xffff, v1  }
0x93: {  	v2 =	vld [tilespmem:$0x1A0];
	_ =	sdelay $0x7  }
0x94: {  	[tilespmem:v2+s9+$0x0] =	vst.idx.add.f32.msk $0xffff, v1  }
0x95: {  	v2 =	vld [tilespmem:$0x1B0];
	_ =	sdelay $0x7  }
0x96: {  	[tilespmem:v2+s9+$0x0] =	vst.idx.add.f32.msk $0xffff, v1  }
0x97: {  	v2 =	vld [tilespmem:$0x1C0];
	_ =	sdelay $0x7  }
0x98: {  	[tilespmem:v2+s9+$0x0] =	vst.idx.add.f32.msk $0xffff, v1  }
0x99: {  	v2 =	vld [tilespmem:$0x1D0];
	_ =	sdelay $0x7  }
0x9a: {  	[tilespmem:v2+s9+$0x0] =	vst.idx.add.f32.msk $0xffff, v1  }
0x9b: {  	v2 =	vld [tilespmem:$0x1E0];
	_ =	sdelay $0x7  }
0x9c: {  	[tilespmem:v2+s9+$0x0] =	vst.idx.add.f32.msk $0xffff, v1  }
0x9d: {  	v2 =	vld [tilespmem:$0x1F0];
	_ =	sdelay $0x5  }
0x9e: {  	p1 =	sne.s32 s16, $0x4A0  }
.Ltmp2:
0x9f: {  	_ = 	snop;
	(pc) =	sbr.rel @p1 .LBB2_6-.Ltmp2, $4  }
0xa0: {  	s19 =	sadd.s32 s16, s24;
	[tilespmem:v2+s9+$0x0] =	vst.idx.add.f32.msk $0xffff, v1  }
0xa1: {  	[tilespmem:s30], [sflag:$0x4] =	stream.linear.gather [hbm4b:s19+s5], $0x80, $0x38;
	[tilespmem:$0x1E280] =	vst v63  }
0xa2: {  	s22 =	sadd.s32 $0x100, s22;
	s19 =	sadd.s32 s16, s23;
	s16 =	sadd.s32 $0x20, s16  }
0xa3: {  	[tilespmem:s31], [sflag:$0x4] =	stream.linear.gather [hbm4b:s19+s5], $0x80, $0x38;
	[tilespmem:$0x1E280] =	vst v63  }
0xa4: {  	_ =	swait.ge [sflag:s3], $0x4000  }
0xa5: {  	[sflag:s3] =	ssyncset.done $0x0  }
0xa6: {  	[sflag:s3] =	ssyncadd.s32 $0xFFFFC000  }
0xa7: {  	_ =	swait.ge [sflag:s7], $0x80  }
0xa8: {  	[sflag:s7] =	ssyncset.done $0x0  }
0xa9: {  	[sflag:s7] =	ssyncadd.s32 $0xFFFFFF80  }
0xaa: {  	_ =	swait.ge [sflag:s7], $0x80  }
0xab: {  	[sflag:s7] =	ssyncset.done $0x0  }
0xac: {  	[sflag:s7] =	ssyncadd.s32 $0xFFFFFF80  }
0xad: {  	[tilespmem:s8], [sflag:$0x2] =	stream.indirect.gather [hbm4b:s1+s30], $0x80, s30, s30, $0xb8;
	[tilespmem:$0x1E280] =	vst v63  }
0xae: {  	_ = 	snop  }
0xaf: {  	[spmem:s4] =	stream.indirect.scatter.add.f32 [tilespmem:s26], [sflag:$0x5], $0x80, s29, s30, $0xb8;
	[tilespmem:$0x1E280] =	vst v63  }
0xb0: {  	_ =	swait.ge [sflag:s28], $0x4000  }
0xb1: {  	[sflag:s28] =	ssyncset.done $0x0  }
0xb2: {  	[sflag:s28] =	ssyncadd.s32 $0xFFFFC000  }
0xb3: {  	v2 =	vld [tilespmem:$0x100];
	_ =	sdelay $0x7  }
0xb4: {  	[tilespmem:v2+s9+$0x0] =	vst.idx.add.f32.msk $0xffff, v1  }
0xb5: {  	v2 =	vld [tilespmem:$0x110];
	_ =	sdelay $0x7  }
0xb6: {  	[tilespmem:v2+s9+$0x0] =	vst.idx.add.f32.msk $0xffff, v1  }
0xb7: {  	v2 =	vld [tilespmem:$0x120];
	_ =	sdelay $0x7  }
0xb8: {  	[tilespmem:v2+s9+$0x0] =	vst.idx.add.f32.msk $0xffff, v1  }
0xb9: {  	v2 =	vld [tilespmem:$0x130];
	_ =	sdelay $0x7  }
0xba: {  	[tilespmem:v2+s9+$0x0] =	vst.idx.add.f32.msk $0xffff, v1  }
0xbb: {  	v2 =	vld [tilespmem:$0x140];
	_ =	sdelay $0x7  }
0xbc: {  	[tilespmem:v2+s9+$0x0] =	vst.idx.add.f32.msk $0xffff, v1  }
0xbd: {  	v2 =	vld [tilespmem:$0x150];
	_ =	sdelay $0x7  }
0xbe: {  	[tilespmem:v2+s9+$0x0] =	vst.idx.add.f32.msk $0xffff, v1  }
0xbf: {  	v2 =	vld [tilespmem:$0x160];
	_ =	sdelay $0x7  }
0xc0: {  	[tilespmem:v2+s9+$0x0] =	vst.idx.add.f32.msk $0xffff, v1  }
0xc1: {  	v2 =	vld [tilespmem:$0x170];
	_ =	sdelay $0x7  }
0xc2: {  	[tilespmem:v2+s9+$0x0] =	vst.idx.add.f32.msk $0xffff, v1  }
0xc3: {  	_ =	swait.ge [sflag:s10], $0x4000  }
0xc4: {  	[sflag:s10] =	ssyncset.done $0x0  }
0xc5: {  	[sflag:s10] =	ssyncadd.s32 $0xFFFFC000  }
0xc6: {  	[spmem:s4] =	stream.indirect.scatter.add.f32 [tilespmem:s8], [sflag:$0x5], $0x80, s31, s30, $0xb8;
	[tilespmem:$0x1E280] =	vst v63  }
0xc7: {  	_ =	swait.ge [sflag:s28], $0x4000  }
0xc8: {  	[sflag:s28] =	ssyncset.done $0x0  }
0xc9: {  	[sflag:s28] =	ssyncadd.s32 $0xFFFFC000  }
0xca: {  	v2 =	vld [tilespmem:$0x180];
	_ =	sdelay $0x7  }
0xcb: {  	[tilespmem:v2+s9+$0x0] =	vst.idx.add.f32.msk $0xffff, v1  }
0xcc: {  	v2 =	vld [tilespmem:$0x190];
	_ =	sdelay $0x7  }
0xcd: {  	[tilespmem:v2+s9+$0x0] =	vst.idx.add.f32.msk $0xffff, v1  }
0xce: {  	v2 =	vld [tilespmem:$0x1A0];
	_ =	sdelay $0x7  }
0xcf: {  	[tilespmem:v2+s9+$0x0] =	vst.idx.add.f32.msk $0xffff, v1  }
0xd0: {  	v2 =	vld [tilespmem:$0x1B0];
	_ =	sdelay $0x7  }
0xd1: {  	[tilespmem:v2+s9+$0x0] =	vst.idx.add.f32.msk $0xffff, v1  }
0xd2: {  	v2 =	vld [tilespmem:$0x1C0];
	_ =	sdelay $0x7  }
0xd3: {  	[tilespmem:v2+s9+$0x0] =	vst.idx.add.f32.msk $0xffff, v1  }
0xd4: {  	v2 =	vld [tilespmem:$0x1D0];
	_ =	sdelay $0x7  }
0xd5: {  	[tilespmem:v2+s9+$0x0] =	vst.idx.add.f32.msk $0xffff, v1  }
0xd6: {  	v2 =	vld [tilespmem:$0x1E0];
	_ =	sdelay $0x7  }
0xd7: {  	[tilespmem:v2+s9+$0x0] =	vst.idx.add.f32.msk $0xffff, v1  }
0xd8: {  	v2 =	vld [tilespmem:$0x1F0];
	_ =	sdelay $0x7  }
0xd9: {  	s16 =	rddreg [dreg:$0xc];
	[tilespmem:v2+s9+$0x0] =	vst.idx.add.f32.msk $0xffff, v1  }
0xda: {  	[tilespmem:s5], [sflag:$0x5] =	stream.linear.gather [hbm4b:s16+s5], $0x10, $0x38;
	[tilespmem:$0x1E280] =	vst v63  }
0xdb: {  	_ =	swait.ge [sflag:s28], $0x10  }
0xdc: {  	[sflag:s28] =	ssyncset.done $0x0  }
0xdd: {  	s19 =	rddreg [dreg:$0xd];
	[sflag:s28] =	ssyncadd.s32 $0xFFFFFFF0  }
0xde: {  	[tilespmem:s13], [sflag:$0x5] =	stream.linear.gather [hbm4b:s19+s5], $0x10, $0x38;
	[tilespmem:$0x1E280] =	vst v63  }
0xdf: {  	_ =	swait.ge [sflag:s28], $0x10  }
0xe0: {  	[sflag:s28] =	ssyncset.done $0x0  }
0xe1: {  	[sflag:s28] =	ssyncadd.s32 $0xFFFFFFF0  }
0xe2: {  	[tilespmem:s26], [sflag:$0x1] =	stream.indirect.gather [hbm4b:s1+s14], $0x80, s5, s14, $0xb8;
	[tilespmem:$0x1E280] =	vst v63  }
0xe3: {  	_ =	swait.ge [sflag:s3], $0x800  }
0xe4: {  	[sflag:s3] =	ssyncset.done $0x0  }
0xe5: {  	[sflag:s3] =	ssyncadd.s32 $0xFFFFF800  }
0xe6: {  	[spmem:s4] =	stream.indirect.scatter.add.f32 [tilespmem:s26], [sflag:$0x5], $0x80, s13, s14, $0xb8;
	[tilespmem:$0x1E280] =	vst v63  }
0xe7: {  	_ =	swait.ge [sflag:s28], $0x800  }
0xe8: {  	[sflag:s28] =	ssyncset.done $0x0  }
0xe9: {  	[sflag:s28] =	ssyncadd.s32 $0xFFFFF800  }
0xea: {  	v2 =	vld [tilespmem:$0x200];
	_ =	sdelay $0x6  }
0xeb: {  	s22 =	stileid.u32  }
0xec: {  	s16 =	sshll.u32 s22, $0x6;
	[tilespmem:v2+s9+$0x0] =	vst.idx.add.f32.msk $0xffff, v1  }
0xed: {  	s16 =	sor.u32 $0x1C05, s16;
	s19 =	sshrl.u32 s6, $0x3;
	[bflag:$0x0] =	sbarrier.arrive $0xFFFF  }
0xee: {  	[hbm:s25], [sflag:s16] =	dma.local [spmem:s19], $0x2700  }
0xef: {  	_ =	swait.ge [sflag:s28], $0x2700  }
0xf0: {  	[sflag:s28] =	ssyncset.done $0x0  }
0xf1: {  	s22 =	sshrl.u32 @!p0 s12, $0x3;
	s19 =	sadd.s32 @!p0 $0x27000, s18;
	[sflag:s28] =	ssyncadd.s32 $0xFFFFD900  }
0xf2: {  	[hbm:s19], [sflag:s16] =	dma.local @!p0 [spmem:s22], $0x100  }
0xf3: {  	s16 =	simm.s32 @!p0 $0x5  }
0xf4: {  	s15 =	sadd.s32 $0x1, s15;
	_ =	swait.ge @!p0 [sflag:s16], $0x100  }
0xf5: {  	p1 =	sne.s32 s15, s20;
	s22 =	simm.s32 $0x400;
	[sflag:s16] =	ssyncset.done @!p0 $0x0  }
.Ltmp3:
0xf6: {  	s19 =	rddreg [dreg:$0xe];
	[sflag:s16] =	ssyncadd.s32 @!p0 $0xFFFFFF00;
	(pc) =	sbr.rel @p1 .LBB2_1-.Ltmp3, $4  }
0xf7: {  	[hbm4b:s19+s30] =	stream.strided.scatter [tilespmem:s9], [sflag:$0x5], $0x2780, s22, s30, $0x38;
	[tilespmem:$0x1E280] =	vst v63  }
0xf8: {  	_ =	swait.ge [sflag:s28], $0x2780  }
0xf9: {  	[sflag:s28] =	ssyncset.done $0x0  }
0xfa: {  	[sflag:s28] =	ssyncadd.s32 $0xFFFFD880  }
0xfb: {  	_ =	sfence.sel $0x180000  }
0xfc: {  	[bflag:$0x0] =	sbarrier.arrive $0xFFFF  }
0xfd: {  	_ =	strace $0x90000047  }
0xfe: {  	[bflag:$0x2] =	sbarrier.arrive $0xFFFF  }
0xff: {  	s0 =	rddreg [dreg:$0x4]  }
0x100: {  	s0 =	sadd.s32 @!p0 $0x100000, s0  }
0x101: {  	[sflag:s0] =	ssyncadd.tile.s32 @!p0 $0x1;
	_ =	shalt  }
.Lfunc_end2:
_tile_overlayer_lowered:
.L_overlay_start_2:
0x102: {  	(tag) =	ssettag $0x2  }
0x103: {  	s0 =	rddreg [dreg:$0x0];
	s2 =	stileid.u32  }
0x104: {  	s1 =	rddreg [dreg:$0x1];
	p0 =	sne.s32 s2, $0x0  }
0x105: {  	s3 =	rddreg [dreg:$0x2];
	[bflag:$0x3] =	sbarrier.arrive $0xFFFF;
	s2 =	simm.s32 @!p0 $0x1C05  }
0x106: {  	[timem:s3], [sflag:s2] =	dma.local @!p0 [hbm:s0], s1  }
0x107: {  	s0 =	simm.s32 @!p0 $0x5  }
0x108: {  	_ =	swait.ge @!p0 [sflag:s0], s1  }
0x109: {  	s1 =	ssub.s32 @!p0 $0x0, s1;
	[sflag:s0] =	ssyncset.done @!p0 $0x0  }
0x10a: {  	[sflag:s0] =	ssyncadd.s32 @!p0 s1  }
0x10b: {  	[bflag:$0x3] =	sbarrier.arrive $0xFFFF  }
0x10c: {  	_ =	shalt  }

</sc_bundles>
